<compile_context>
chip_gen: v7x
topology: tpu7x:2x2x1
jax: 0.10.2.dev20260603
libtpu: 0.0.44.dev20260713+nightly
codegen_flags: <defaults>
</compile_context>

<pallas_src>
import functools

import jax
import jax.numpy as jnp
from jax import lax
from jax.experimental import pallas as pl
from jax.experimental.pallas import tpu as pltpu
from jax.experimental.pallas import tpu_sc as plsc

NC = 2
NS = 16
NW = NC * NS
L = 16

N = 10000
E = 320000
N_PAD = 10112
ROWS_PER_TILE = N_PAD // NS
ECH = 1000
EPT = E // NW
NCH = EPT // ECH

_mesh = plsc.VectorSubcoreMesh(core_axis_name="c", subcore_axis_name="s")
_sc_params = pltpu.CompilerParams(use_tc_tiling_on_sc=False)


@functools.partial(
    pl.kernel,
    mesh=_mesh,
    out_type=jax.ShapeDtypeStruct((NC, N_PAD, L), jnp.float32),
    scratch_types=[
        pltpu.VMEM((NCH, ECH), jnp.int32),
        pltpu.VMEM((ECH, L), jnp.float32),
        pltpu.VMEM_SHARED((N_PAD, L), jnp.float32),
    ],
    compiler_params=_sc_params,
)
def _sc_deg(dst_hbm, ones_hbm, zeros_hbm, out_hbm, dst_v, ones_v, deg_sh):
    cid = lax.axis_index("c")
    sid = lax.axis_index("s")
    wid = sid * NC + cid
    row0 = sid * ROWS_PER_TILE
    pltpu.sync_copy(zeros_hbm, deg_sh.at[pl.ds(row0, ROWS_PER_TILE)])
    pltpu.sync_copy(ones_hbm, ones_v)
    pltpu.sync_copy(dst_hbm.at[wid], dst_v)
    plsc.subcore_barrier()

    def step(j, c):
        pltpu.sync_copy(ones_v, deg_sh.at[dst_v.at[j]], add=True)
        return c

    lax.fori_loop(0, NCH, step, 0)
    plsc.subcore_barrier()
    pltpu.sync_copy(deg_sh.at[pl.ds(row0, ROWS_PER_TILE)],
                    out_hbm.at[cid, pl.ds(row0, ROWS_PER_TILE)])


def _make_sc_agg(d, stage_y):
    scratch = [
        pltpu.VMEM((NCH, ECH), jnp.int32),
        pltpu.VMEM((NCH, ECH), jnp.int32),
        pltpu.VMEM((ECH, d), jnp.float32),
        pltpu.VMEM_SHARED((N_PAD, d), jnp.float32),
        pltpu.SemaphoreType.DMA,
    ]
    if stage_y:
        scratch.insert(4, pltpu.VMEM_SHARED((N_PAD, d), jnp.float32))

    @functools.partial(
        pl.kernel,
        mesh=_mesh,
        out_type=jax.ShapeDtypeStruct((NC, N_PAD, d), jnp.float32),
        scratch_types=scratch,
        compiler_params=_sc_params,
    )
    def agg(y_hbm, src_hbm, dst_hbm, zeros_hbm, out_hbm,
            src_v, dst_v, rows_v, acc_sh, *rest):
        if stage_y:
            y_sh, sem = rest
        else:
            (sem,) = rest
        cid = lax.axis_index("c")
        sid = lax.axis_index("s")
        wid = sid * NC + cid
        row0 = sid * ROWS_PER_TILE
        pltpu.sync_copy(zeros_hbm, acc_sh.at[pl.ds(row0, ROWS_PER_TILE)])
        if stage_y:
            pltpu.sync_copy(y_hbm.at[pl.ds(row0, ROWS_PER_TILE)],
                            y_sh.at[pl.ds(row0, ROWS_PER_TILE)])
            y_src = y_sh
        else:
            y_src = y_hbm
        pltpu.sync_copy(src_hbm.at[wid], src_v)
        pltpu.sync_copy(dst_hbm.at[wid], dst_v)
        plsc.subcore_barrier()

        def step(j, c):
            pltpu.async_copy(y_src.at[src_v.at[j]], rows_v, sem).wait()
            pltpu.sync_copy(rows_v, acc_sh.at[dst_v.at[j]], add=True)
            return c

        lax.fori_loop(0, NCH, step, 0)
        plsc.subcore_barrier()
        pltpu.sync_copy(acc_sh.at[pl.ds(row0, ROWS_PER_TILE)],
                        out_hbm.at[cid, pl.ds(row0, ROWS_PER_TILE)])

    return agg


_sc_agg64 = _make_sc_agg(64, stage_y=False)
_sc_agg32 = _make_sc_agg(32, stage_y=True)


_RB = N_PAD // 4
_NB = N_PAD // _RB


def _row_mask(i):
    return (i * _RB + lax.broadcasted_iota(jnp.int32, (_RB, 1), 0)) < N


def _tc_pre_body(deg_ref, x_ref, w1_ref, y1_ref, dinv_ref):
    i = pl.program_id(0)
    deg = deg_ref[0, :, 0:1] + deg_ref[1, :, 0:1] + 1.0
    dinv = lax.rsqrt(deg)
    xw = jnp.dot(x_ref[...], w1_ref[...], preferred_element_type=jnp.float32)
    y1_ref[...] = jnp.where(_row_mask(i), xw * dinv, 0.0)
    dinv_ref[...] = dinv


_tc_pre = pl.pallas_call(
    _tc_pre_body,
    grid=(_NB,),
    in_specs=[
        pl.BlockSpec((2, _RB, L), lambda i: (0, i, 0)),
        pl.BlockSpec((_RB, 128), lambda i: (i, 0)),
        pl.BlockSpec((128, 64), lambda i: (0, 0)),
    ],
    out_specs=(
        pl.BlockSpec((_RB, 64), lambda i: (i, 0)),
        pl.BlockSpec((_RB, 1), lambda i: (i, 0)),
    ),
    out_shape=(
        jax.ShapeDtypeStruct((N_PAD, 64), jnp.float32),
        jax.ShapeDtypeStruct((N_PAD, 1), jnp.float32),
    ),
)


def _tc_mid_body(acc_ref, y1_ref, dinv_ref, b1_ref, w2_ref, y2_ref):
    i = pl.program_id(0)
    dinv = dinv_ref[...]
    h1 = jnp.maximum(dinv * (acc_ref[0] + acc_ref[1] + y1_ref[...]) + b1_ref[...], 0.0)
    xw2 = jnp.dot(h1, w2_ref[...], preferred_element_type=jnp.float32)
    y2_ref[...] = jnp.where(_row_mask(i), xw2 * dinv, 0.0)


_tc_mid = pl.pallas_call(
    _tc_mid_body,
    grid=(_NB,),
    in_specs=[
        pl.BlockSpec((2, _RB, 64), lambda i: (0, i, 0)),
        pl.BlockSpec((_RB, 64), lambda i: (i, 0)),
        pl.BlockSpec((_RB, 1), lambda i: (i, 0)),
        pl.BlockSpec((1, 64), lambda i: (0, 0)),
        pl.BlockSpec((64, 32), lambda i: (0, 0)),
    ],
    out_specs=pl.BlockSpec((_RB, 32), lambda i: (i, 0)),
    out_shape=jax.ShapeDtypeStruct((N_PAD, 32), jnp.float32),
)


def _tc_post_body(acc_ref, y2_ref, dinv_ref, b2_ref, wlin_ref, blin_ref, out_ref):
    dinv = dinv_ref[...]
    h2 = jnp.maximum(dinv * (acc_ref[0] + acc_ref[1] + y2_ref[...]) + b2_ref[...], 0.0)
    out_ref[...] = (
        jnp.dot(h2, wlin_ref[...], preferred_element_type=jnp.float32) + blin_ref[...]
    )


_tc_post = pl.pallas_call(
    _tc_post_body,
    grid=(_NB,),
    in_specs=[
        pl.BlockSpec((2, _RB, 32), lambda i: (0, i, 0)),
        pl.BlockSpec((_RB, 32), lambda i: (i, 0)),
        pl.BlockSpec((_RB, 1), lambda i: (i, 0)),
        pl.BlockSpec((1, 32), lambda i: (0, 0)),
        pl.BlockSpec((32, 1), lambda i: (0, 0)),
        pl.BlockSpec((1, 1), lambda i: (0, 0)),
    ],
    out_specs=pl.BlockSpec((_RB, 1), lambda i: (i, 0)),
    out_shape=jax.ShapeDtypeStruct((N, 1), jnp.float32),
)


@jax.jit
def _run(x, edge_index, W1, b1, W2, b2, Wlin, blin):
    ei = jnp.asarray(edge_index, jnp.int32)
    src_r = ei[0].reshape(NW, NCH, ECH)
    dst_r = ei[1].reshape(NW, NCH, ECH)

    zeros64 = jnp.zeros((ROWS_PER_TILE, 64), jnp.float32)
    zeros32 = jnp.zeros((ROWS_PER_TILE, 32), jnp.float32)
    zeros16 = jnp.zeros((ROWS_PER_TILE, L), jnp.float32)
    ones16 = jnp.ones((ECH, L), jnp.float32)

    deg_parts = _sc_deg(dst_r, ones16, zeros16)
    y1, dinv = _tc_pre(deg_parts, x, W1)
    acc1 = _sc_agg64(y1, src_r, dst_r, zeros64)
    y2 = _tc_mid(acc1, y1, dinv, b1.reshape(1, 64), W2)
    acc2 = _sc_agg32(y2, src_r, dst_r, zeros32)
    out = _tc_post(acc2, y2, dinv, b2.reshape(1, 32), Wlin, blin.reshape(1, 1))
    return out


def kernel(x, edge_index, W1, b1, W2, b2, Wlin, blin):
    return _run(x, edge_index, W1, b1, W2, b2, Wlin, blin)

# --- scband reference (transcript-rebuilt; emitter-appended) ---
"""Pipeline reference for scband-gnnregressor-584115552932 (READ-ONLY COPY).

The authoritative reference and input builder live on the scoring server;
editing this copy changes nothing except your own understanding.
"""

import jax, jax.numpy as jnp
import numpy as np

N = 10000
E = 320000
D_IN = 64


def _glorot(key, shape):
    fan_in, fan_out = shape[0], shape[1]
    limit = (6.0 / (fan_in + fan_out)) ** 0.5
    return jax.random.uniform(key, shape, minval=-limit, maxval=limit, dtype=jnp.float32)


def setup_inputs(seed: int = 0) -> dict:
    key = jax.random.key(seed)
    ks = jax.random.split(key, 8)
    x = jax.random.normal(ks[0], (N, 128), dtype=jnp.float32)
    edge_index = jax.random.randint(ks[1], (2, E), 0, N, dtype=jnp.int64)
    W1 = _glorot(ks[2], (128, 64))
    b1 = jnp.zeros((64,), dtype=jnp.float32)
    W2 = _glorot(ks[3], (64, 32))
    b2 = jnp.zeros((32,), dtype=jnp.float32)
    Wlin = _glorot(ks[4], (32, 1))
    blin = jnp.zeros((1,), dtype=jnp.float32)
    return {"x": x, "edge_index": edge_index, "W1": W1, "b1": b1, "W2": W2, "b2": b2, "Wlin": Wlin, "blin": blin}


def _gcn_conv(x, src, dst, W, b, n_nodes):
    # PyG GCNConv: add self-loops, symmetric normalization, linear transform, scatter-add aggregate
    loop = jnp.arange(n_nodes, dtype=src.dtype)
    s = jnp.concatenate([src, loop])
    d = jnp.concatenate([dst, loop])
    deg = jnp.zeros((n_nodes,), dtype=jnp.float32).at[d].add(1.0)
    dinv = jnp.where(deg > 0, deg ** -0.5, 0.0)
    norm = dinv[s] * dinv[d]
    xw = x @ W
    msg = xw[s] * norm[:, None]
    out = jnp.zeros((n_nodes, xw.shape[1]), dtype=jnp.float32).at[d].add(msg)
    return out + b


def reference(x, edge_index, W1, b1, W2, b2, Wlin, blin):
    src = edge_index[0]
    dst = edge_index[1]
    n_nodes = x.shape[0]
    h = jax.nn.relu(_gcn_conv(x, src, dst, W1, b1, n_nodes))
    h = jax.nn.relu(_gcn_conv(h, src, dst, W2, b2, n_nodes))
    out = h @ Wlin + blin
    return out

if __name__ == "__main__":
    import jax
    _d = setup_inputs()
    print(jax.jit(kernel)(*tuple(_d.values())))

</pallas_src>

<mosaic_0001>
#map = affine_map<(d0, d1) -> (0, 0)>
#map1 = affine_map<(d0, d1) -> (0, 0, 0)>
module attributes {stable_mosaic.version = 14 : i64} {
  func.func @agg(%arg0: i32, %arg1: i32, %arg2: memref<10112x64xf32, #tpu.memory_space<hbm>>, %arg3: memref<32x10x1000xi32, #tpu.memory_space<hbm>>, %arg4: memref<32x10x1000xi32, #tpu.memory_space<hbm>>, %arg5: memref<632x64xf32, #tpu.memory_space<hbm>>, %arg6: memref<2x10112x64xf32, #tpu.memory_space<hbm>>, %arg7: memref<10x1000xi32, #tpu.memory_space<vmem>>, %arg8: memref<10x1000xi32, #tpu.memory_space<vmem>>, %arg9: memref<1000x64xf32, #tpu.memory_space<vmem>>, %arg10: memref<10112x64xf32, #tpu.memory_space<vmem_shared>>, %arg11: memref<!tpu.dma_semaphore, #tpu.memory_space<semaphore_mem>>) attributes {dimension_semantics = [#tpu.dimension_semantics<core_parallel>, #tpu.dimension_semantics<subcore_parallel>], iteration_bounds = array<i64: 2, 16>, scalar_prefetch = 0 : i64, scratch_operands = 5 : i64, tpu.core_type = #tpu.core_type<sc_vector_subcore>, window_params = [{transform_indices = #map}, {transform_indices = #map1}, {transform_indices = #map1}, {transform_indices = #map}, {transform_indices = #map1}]} {
    %mul3A = arith.constant 2 : i32
    %mul3A_0 = arith.muli %arg1, %mul3A : i32
    %add3A = arith.addi %mul3A_0, %arg0 : i32
    %mul3A_1 = arith.constant 632 : i32
    %mul3A_2 = arith.muli %arg1, %mul3A_1 : i32
    "tpu.region"() ({
      %run_scoped3A = tpu.sem_alloc : memref<!tpu.dma_semaphore, #tpu.memory_space<semaphore_mem>>
      %dma_start3A = arith.constant 0 : i32
      %dma_start3A_9 = tpu.memref_slice %arg10[%mul3A_2, %dma_start3A] : memref<10112x64xf32, #tpu.memory_space<vmem_shared>> -> memref<632x64xf32, #tpu.memory_space<vmem_shared>>
      tpu.enqueue_dma source(%arg5 : memref<632x64xf32, #tpu.memory_space<hbm>>) target(%dma_start3A_9 : memref<632x64xf32, #tpu.memory_space<vmem_shared>>) target_semaphore(%run_scoped3A : memref<!tpu.dma_semaphore, #tpu.memory_space<semaphore_mem>>)
      %dma_wait3A = arith.constant 0 : i32
      %dma_wait3A_10 = tpu.memref_slice %arg10[%mul3A_2, %dma_wait3A] : memref<10112x64xf32, #tpu.memory_space<vmem_shared>> -> memref<632x64xf32, #tpu.memory_space<vmem_shared>>
      tpu.wait_dma2 semaphore(%run_scoped3A : memref<!tpu.dma_semaphore, #tpu.memory_space<semaphore_mem>>) src(%arg5 : memref<632x64xf32, #tpu.memory_space<hbm>>) dst(%dma_wait3A_10 : memref<632x64xf32, #tpu.memory_space<vmem_shared>>)
      tpu.yield
    }) : () -> ()
    "tpu.region"() ({
      %run_scoped3A = tpu.sem_alloc : memref<!tpu.dma_semaphore, #tpu.memory_space<semaphore_mem>>
      %dma_start3A = arith.constant 0 : i32
      %dma_start3A_9 = arith.constant 0 : i32
      %dma_start3A_10 = tpu.memref_slice %arg3[%add3A, %dma_start3A, %dma_start3A_9] : memref<32x10x1000xi32, #tpu.memory_space<hbm>> -> memref<1x10x1000xi32, #tpu.memory_space<hbm>>
      %dma_start3A_11 = tpu.memref_squeeze %dma_start3A_10 : memref<1x10x1000xi32, #tpu.memory_space<hbm>> -> memref<10x1000xi32, #tpu.memory_space<hbm>>
      %dma_start3A_12 = arith.constant 0 : i32
      %dma_start3A_13 = arith.constant 0 : i32
      %dma_start3A_14 = tpu.memref_slice %arg3[%add3A, %dma_start3A_12, %dma_start3A_13] : memref<32x10x1000xi32, #tpu.memory_space<hbm>> -> memref<1x10x1000xi32, #tpu.memory_space<hbm>>
      %dma_start3A_15 = tpu.memref_squeeze %dma_start3A_14 : memref<1x10x1000xi32, #tpu.memory_space<hbm>> -> memref<10x1000xi32, #tpu.memory_space<hbm>>
      tpu.enqueue_dma source(%dma_start3A_15 : memref<10x1000xi32, #tpu.memory_space<hbm>>) target(%arg7 : memref<10x1000xi32, #tpu.memory_space<vmem>>) target_semaphore(%run_scoped3A : memref<!tpu.dma_semaphore, #tpu.memory_space<semaphore_mem>>)
      %dma_wait3A = arith.constant 0 : i32
      %dma_wait3A_16 = arith.constant 0 : i32
      %dma_wait3A_17 = tpu.memref_slice %arg3[%add3A, %dma_wait3A, %dma_wait3A_16] : memref<32x10x1000xi32, #tpu.memory_space<hbm>> -> memref<1x10x1000xi32, #tpu.memory_space<hbm>>
      %dma_wait3A_18 = tpu.memref_squeeze %dma_wait3A_17 : memref<1x10x1000xi32, #tpu.memory_space<hbm>> -> memref<10x1000xi32, #tpu.memory_space<hbm>>
      %dma_wait3A_19 = arith.constant 0 : i32
      %dma_wait3A_20 = arith.constant 0 : i32
      %dma_wait3A_21 = tpu.memref_slice %arg3[%add3A, %dma_wait3A_19, %dma_wait3A_20] : memref<32x10x1000xi32, #tpu.memory_space<hbm>> -> memref<1x10x1000xi32, #tpu.memory_space<hbm>>
      %dma_wait3A_22 = tpu.memref_squeeze %dma_wait3A_21 : memref<1x10x1000xi32, #tpu.memory_space<hbm>> -> memref<10x1000xi32, #tpu.memory_space<hbm>>
      tpu.wait_dma2 semaphore(%run_scoped3A : memref<!tpu.dma_semaphore, #tpu.memory_space<semaphore_mem>>) src(%dma_wait3A_22 : memref<10x1000xi32, #tpu.memory_space<hbm>>) dst(%arg7 : memref<10x1000xi32, #tpu.memory_space<vmem>>)
      tpu.yield
    }) : () -> ()
    "tpu.region"() ({
      %run_scoped3A = tpu.sem_alloc : memref<!tpu.dma_semaphore, #tpu.memory_space<semaphore_mem>>
      %dma_start3A = arith.constant 0 : i32
      %dma_start3A_9 = arith.constant 0 : i32
      %dma_start3A_10 = tpu.memref_slice %arg4[%add3A, %dma_start3A, %dma_start3A_9] : memref<32x10x1000xi32, #tpu.memory_space<hbm>> -> memref<1x10x1000xi32, #tpu.memory_space<hbm>>
      %dma_start3A_11 = tpu.memref_squeeze %dma_start3A_10 : memref<1x10x1000xi32, #tpu.memory_space<hbm>> -> memref<10x1000xi32, #tpu.memory_space<hbm>>
      %dma_start3A_12 = arith.constant 0 : i32
      %dma_start3A_13 = arith.constant 0 : i32
      %dma_start3A_14 = tpu.memref_slice %arg4[%add3A, %dma_start3A_12, %dma_start3A_13] : memref<32x10x1000xi32, #tpu.memory_space<hbm>> -> memref<1x10x1000xi32, #tpu.memory_space<hbm>>
      %dma_start3A_15 = tpu.memref_squeeze %dma_start3A_14 : memref<1x10x1000xi32, #tpu.memory_space<hbm>> -> memref<10x1000xi32, #tpu.memory_space<hbm>>
      tpu.enqueue_dma source(%dma_start3A_15 : memref<10x1000xi32, #tpu.memory_space<hbm>>) target(%arg8 : memref<10x1000xi32, #tpu.memory_space<vmem>>) target_semaphore(%run_scoped3A : memref<!tpu.dma_semaphore, #tpu.memory_space<semaphore_mem>>)
      %dma_wait3A = arith.constant 0 : i32
      %dma_wait3A_16 = arith.constant 0 : i32
      %dma_wait3A_17 = tpu.memref_slice %arg4[%add3A, %dma_wait3A, %dma_wait3A_16] : memref<32x10x1000xi32, #tpu.memory_space<hbm>> -> memref<1x10x1000xi32, #tpu.memory_space<hbm>>
      %dma_wait3A_18 = tpu.memref_squeeze %dma_wait3A_17 : memref<1x10x1000xi32, #tpu.memory_space<hbm>> -> memref<10x1000xi32, #tpu.memory_space<hbm>>
      %dma_wait3A_19 = arith.constant 0 : i32
      %dma_wait3A_20 = arith.constant 0 : i32
      %dma_wait3A_21 = tpu.memref_slice %arg4[%add3A, %dma_wait3A_19, %dma_wait3A_20] : memref<32x10x1000xi32, #tpu.memory_space<hbm>> -> memref<1x10x1000xi32, #tpu.memory_space<hbm>>
      %dma_wait3A_22 = tpu.memref_squeeze %dma_wait3A_21 : memref<1x10x1000xi32, #tpu.memory_space<hbm>> -> memref<10x1000xi32, #tpu.memory_space<hbm>>
      tpu.wait_dma2 semaphore(%run_scoped3A : memref<!tpu.dma_semaphore, #tpu.memory_space<semaphore_mem>>) src(%dma_wait3A_22 : memref<10x1000xi32, #tpu.memory_space<hbm>>) dst(%arg8 : memref<10x1000xi32, #tpu.memory_space<vmem>>)
      tpu.yield
    }) : () -> ()
    %barrier3A = arith.constant 0 : index
    tpu.barrier barrier_id(%barrier3A)
    %scan3A = arith.constant 0 : i32
    %scan3A_3 = arith.constant 0 : i32
    %scan3A_4 = arith.constant 10 : i32
    %scan3A_5 = arith.addi %scan3A_3, %scan3A_4 : i32
    %scan3A_6 = arith.constant 1 : i32
    scf.for %scan3A_9 = %scan3A_3 to %scan3A_5 step %scan3A_6  : i32 {
      %dma_start3A = arith.constant 0 : i32
      %dma_start3A_10 = tpu.memref_slice %arg7[%scan3A_9, %dma_start3A] : memref<10x1000xi32, #tpu.memory_space<vmem>> -> memref<1x1000xi32, #tpu.memory_space<vmem>>
      %dma_start3A_11 = tpu.memref_squeeze %dma_start3A_10 : memref<1x1000xi32, #tpu.memory_space<vmem>> -> memref<1000xi32, #tpu.memory_space<vmem>>
      %dma_start3A_12 = arith.constant 0 : i32
      %dma_start3A_13 = arith.constant 0 : i32
      %dma_start3A_14 = tpu.memref_slice %arg2[%dma_start3A_12, %dma_start3A_13] : memref<10112x64xf32, #tpu.memory_space<hbm>> -> memref<10112x64xf32, #tpu.memory_space<hbm>>
      tpu.enqueue_indirect_dma source(%dma_start3A_14 : memref<10112x64xf32, #tpu.memory_space<hbm>>) target(%arg9 : memref<1000x64xf32, #tpu.memory_space<vmem>>) offsets(%dma_start3A_11 : memref<1000xi32, #tpu.memory_space<vmem>>) semaphore(%arg11 : memref<!tpu.dma_semaphore, #tpu.memory_space<semaphore_mem>>)
      %dma_wait3A = arith.constant 0 : i32
      %dma_wait3A_15 = tpu.memref_slice %arg7[%scan3A_9, %dma_wait3A] : memref<10x1000xi32, #tpu.memory_space<vmem>> -> memref<1x1000xi32, #tpu.memory_space<vmem>>
      %dma_wait3A_16 = tpu.memref_squeeze %dma_wait3A_15 : memref<1x1000xi32, #tpu.memory_space<vmem>> -> memref<1000xi32, #tpu.memory_space<vmem>>
      %dma_wait3A_17 = arith.constant 0 : i32
      %dma_wait3A_18 = arith.constant 0 : i32
      %dma_wait3A_19 = tpu.memref_slice %arg2[%dma_wait3A_17, %dma_wait3A_18] : memref<10112x64xf32, #tpu.memory_space<hbm>> -> memref<10112x64xf32, #tpu.memory_space<hbm>>
      tpu.wait_indirect_dma semaphore(%arg11 : memref<!tpu.dma_semaphore, #tpu.memory_space<semaphore_mem>>) src(%dma_wait3A_19 : memref<10112x64xf32, #tpu.memory_space<hbm>>) dst(%arg9 : memref<1000x64xf32, #tpu.memory_space<vmem>>)
      "tpu.region"() ({
        %run_scoped3A = tpu.sem_alloc : memref<!tpu.dma_semaphore, #tpu.memory_space<semaphore_mem>>
        %dma_start3A_20 = arith.constant 0 : i32
        %dma_start3A_21 = tpu.memref_slice %arg8[%scan3A_9, %dma_start3A_20] : memref<10x1000xi32, #tpu.memory_space<vmem>> -> memref<1x1000xi32, #tpu.memory_space<vmem>>
        %dma_start3A_22 = tpu.memref_squeeze %dma_start3A_21 : memref<1x1000xi32, #tpu.memory_space<vmem>> -> memref<1000xi32, #tpu.memory_space<vmem>>
        %dma_start3A_23 = arith.constant 0 : i32
        %dma_start3A_24 = arith.constant 0 : i32
        %dma_start3A_25 = tpu.memref_slice %arg10[%dma_start3A_23, %dma_start3A_24] : memref<10112x64xf32, #tpu.memory_space<vmem_shared>> -> memref<10112x64xf32, #tpu.memory_space<vmem_shared>>
        tpu.enqueue_indirect_dma source(%arg9 : memref<1000x64xf32, #tpu.memory_space<vmem>>) target(%dma_start3A_25 : memref<10112x64xf32, #tpu.memory_space<vmem_shared>>) offsets(%dma_start3A_22 : memref<1000xi32, #tpu.memory_space<vmem>>) semaphore(%run_scoped3A : memref<!tpu.dma_semaphore, #tpu.memory_space<semaphore_mem>>) {add = true}
        %dma_wait3A_26 = arith.constant 0 : i32
        %dma_wait3A_27 = tpu.memref_slice %arg8[%scan3A_9, %dma_wait3A_26] : memref<10x1000xi32, #tpu.memory_space<vmem>> -> memref<1x1000xi32, #tpu.memory_space<vmem>>
        %dma_wait3A_28 = tpu.memref_squeeze %dma_wait3A_27 : memref<1x1000xi32, #tpu.memory_space<vmem>> -> memref<1000xi32, #tpu.memory_space<vmem>>
        %dma_wait3A_29 = arith.constant 0 : i32
        %dma_wait3A_30 = arith.constant 0 : i32
        %dma_wait3A_31 = tpu.memref_slice %arg10[%dma_wait3A_29, %dma_wait3A_30] : memref<10112x64xf32, #tpu.memory_space<vmem_shared>> -> memref<10112x64xf32, #tpu.memory_space<vmem_shared>>
        tpu.wait_indirect_dma semaphore(%run_scoped3A : memref<!tpu.dma_semaphore, #tpu.memory_space<semaphore_mem>>) src(%arg9 : memref<1000x64xf32, #tpu.memory_space<vmem>>) dst(%dma_wait3A_31 : memref<10112x64xf32, #tpu.memory_space<vmem_shared>>)
        tpu.yield
      }) : () -> ()
    }
    %scan3A_7 = arith.constant 10 : i32
    %barrier3A_8 = arith.constant 0 : index
    tpu.barrier barrier_id(%barrier3A_8)
    "tpu.region"() ({
      %run_scoped3A = tpu.sem_alloc : memref<!tpu.dma_semaphore, #tpu.memory_space<semaphore_mem>>
      %dma_start3A = arith.constant 0 : i32
      %dma_start3A_9 = tpu.memref_slice %arg6[%arg0, %mul3A_2, %dma_start3A] : memref<2x10112x64xf32, #tpu.memory_space<hbm>> -> memref<1x632x64xf32, #tpu.memory_space<hbm>>
      %dma_start3A_10 = tpu.memref_squeeze %dma_start3A_9 : memref<1x632x64xf32, #tpu.memory_space<hbm>> -> memref<632x64xf32, #tpu.memory_space<hbm>>
      %dma_start3A_11 = arith.constant 0 : i32
      %dma_start3A_12 = tpu.memref_slice %arg10[%mul3A_2, %dma_start3A_11] : memref<10112x64xf32, #tpu.memory_space<vmem_shared>> -> memref<632x64xf32, #tpu.memory_space<vmem_shared>>
      tpu.enqueue_dma source(%dma_start3A_12 : memref<632x64xf32, #tpu.memory_space<vmem_shared>>) target(%dma_start3A_10 : memref<632x64xf32, #tpu.memory_space<hbm>>) target_semaphore(%run_scoped3A : memref<!tpu.dma_semaphore, #tpu.memory_space<semaphore_mem>>)
      %dma_wait3A = arith.constant 0 : i32
      %dma_wait3A_13 = tpu.memref_slice %arg6[%arg0, %mul3A_2, %dma_wait3A] : memref<2x10112x64xf32, #tpu.memory_space<hbm>> -> memref<1x632x64xf32, #tpu.memory_space<hbm>>
      %dma_wait3A_14 = tpu.memref_squeeze %dma_wait3A_13 : memref<1x632x64xf32, #tpu.memory_space<hbm>> -> memref<632x64xf32, #tpu.memory_space<hbm>>
      %dma_wait3A_15 = arith.constant 0 : i32
      %dma_wait3A_16 = tpu.memref_slice %arg10[%mul3A_2, %dma_wait3A_15] : memref<10112x64xf32, #tpu.memory_space<vmem_shared>> -> memref<632x64xf32, #tpu.memory_space<vmem_shared>>
      tpu.wait_dma2 semaphore(%run_scoped3A : memref<!tpu.dma_semaphore, #tpu.memory_space<semaphore_mem>>) src(%dma_wait3A_16 : memref<632x64xf32, #tpu.memory_space<vmem_shared>>) dst(%dma_wait3A_14 : memref<632x64xf32, #tpu.memory_space<hbm>>)
      tpu.yield
    }) : () -> ()
    return
  }
}

#map = affine_map<(d0, d1) -> (0, 0, 0)>
#map1 = affine_map<(d0, d1) -> (0, 0)>
module attributes {stable_mosaic.version = 14 : i64} {
  func.func @_sc_deg(%arg0: i32, %arg1: i32, %arg2: memref<32x10x1000xi32, #tpu.memory_space<hbm>>, %arg3: memref<1000x16xf32, #tpu.memory_space<hbm>>, %arg4: memref<632x16xf32, #tpu.memory_space<hbm>>, %arg5: memref<2x10112x16xf32, #tpu.memory_space<hbm>>, %arg6: memref<10x1000xi32, #tpu.memory_space<vmem>>, %arg7: memref<1000x16xf32, #tpu.memory_space<vmem>>, %arg8: memref<10112x16xf32, #tpu.memory_space<vmem_shared>>) attributes {dimension_semantics = [#tpu.dimension_semantics<core_parallel>, #tpu.dimension_semantics<subcore_parallel>], iteration_bounds = array<i64: 2, 16>, scalar_prefetch = 0 : i64, scratch_operands = 3 : i64, tpu.core_type = #tpu.core_type<sc_vector_subcore>, window_params = [{transform_indices = #map}, {transform_indices = #map1}, {transform_indices = #map1}, {transform_indices = #map}]} {
    %mul3A = arith.constant 2 : i32
    %mul3A_0 = arith.muli %arg1, %mul3A : i32
    %add3A = arith.addi %mul3A_0, %arg0 : i32
    %mul3A_1 = arith.constant 632 : i32
    %mul3A_2 = arith.muli %arg1, %mul3A_1 : i32
    "tpu.region"() ({
      %run_scoped3A = tpu.sem_alloc : memref<!tpu.dma_semaphore, #tpu.memory_space<semaphore_mem>>
      %dma_start3A = arith.constant 0 : i32
      %dma_start3A_9 = tpu.memref_slice %arg8[%mul3A_2, %dma_start3A] : memref<10112x16xf32, #tpu.memory_space<vmem_shared>> -> memref<632x16xf32, #tpu.memory_space<vmem_shared>>
      tpu.enqueue_dma source(%arg4 : memref<632x16xf32, #tpu.memory_space<hbm>>) target(%dma_start3A_9 : memref<632x16xf32, #tpu.memory_space<vmem_shared>>) target_semaphore(%run_scoped3A : memref<!tpu.dma_semaphore, #tpu.memory_space<semaphore_mem>>)
      %dma_wait3A = arith.constant 0 : i32
      %dma_wait3A_10 = tpu.memref_slice %arg8[%mul3A_2, %dma_wait3A] : memref<10112x16xf32, #tpu.memory_space<vmem_shared>> -> memref<632x16xf32, #tpu.memory_space<vmem_shared>>
      tpu.wait_dma2 semaphore(%run_scoped3A : memref<!tpu.dma_semaphore, #tpu.memory_space<semaphore_mem>>) src(%arg4 : memref<632x16xf32, #tpu.memory_space<hbm>>) dst(%dma_wait3A_10 : memref<632x16xf32, #tpu.memory_space<vmem_shared>>)
      tpu.yield
    }) : () -> ()
    "tpu.region"() ({
      %run_scoped3A = tpu.sem_alloc : memref<!tpu.dma_semaphore, #tpu.memory_space<semaphore_mem>>
      tpu.enqueue_dma source(%arg3 : memref<1000x16xf32, #tpu.memory_space<hbm>>) target(%arg7 : memref<1000x16xf32, #tpu.memory_space<vmem>>) target_semaphore(%run_scoped3A : memref<!tpu.dma_semaphore, #tpu.memory_space<semaphore_mem>>)
      tpu.wait_dma2 semaphore(%run_scoped3A : memref<!tpu.dma_semaphore, #tpu.memory_space<semaphore_mem>>) src(%arg3 : memref<1000x16xf32, #tpu.memory_space<hbm>>) dst(%arg7 : memref<1000x16xf32, #tpu.memory_space<vmem>>)
      tpu.yield
    }) : () -> ()
    "tpu.region"() ({
      %run_scoped3A = tpu.sem_alloc : memref<!tpu.dma_semaphore, #tpu.memory_space<semaphore_mem>>
      %dma_start3A = arith.constant 0 : i32
      %dma_start3A_9 = arith.constant 0 : i32
      %dma_start3A_10 = tpu.memref_slice %arg2[%add3A, %dma_start3A, %dma_start3A_9] : memref<32x10x1000xi32, #tpu.memory_space<hbm>> -> memref<1x10x1000xi32, #tpu.memory_space<hbm>>
      %dma_start3A_11 = tpu.memref_squeeze %dma_start3A_10 : memref<1x10x1000xi32, #tpu.memory_space<hbm>> -> memref<10x1000xi32, #tpu.memory_space<hbm>>
      %dma_start3A_12 = arith.constant 0 : i32
      %dma_start3A_13 = arith.constant 0 : i32
      %dma_start3A_14 = tpu.memref_slice %arg2[%add3A, %dma_start3A_12, %dma_start3A_13] : memref<32x10x1000xi32, #tpu.memory_space<hbm>> -> memref<1x10x1000xi32, #tpu.memory_space<hbm>>
      %dma_start3A_15 = tpu.memref_squeeze %dma_start3A_14 : memref<1x10x1000xi32, #tpu.memory_space<hbm>> -> memref<10x1000xi32, #tpu.memory_space<hbm>>
      tpu.enqueue_dma source(%dma_start3A_15 : memref<10x1000xi32, #tpu.memory_space<hbm>>) target(%arg6 : memref<10x1000xi32, #tpu.memory_space<vmem>>) target_semaphore(%run_scoped3A : memref<!tpu.dma_semaphore, #tpu.memory_space<semaphore_mem>>)
      %dma_wait3A = arith.constant 0 : i32
      %dma_wait3A_16 = arith.constant 0 : i32
      %dma_wait3A_17 = tpu.memref_slice %arg2[%add3A, %dma_wait3A, %dma_wait3A_16] : memref<32x10x1000xi32, #tpu.memory_space<hbm>> -> memref<1x10x1000xi32, #tpu.memory_space<hbm>>
      %dma_wait3A_18 = tpu.memref_squeeze %dma_wait3A_17 : memref<1x10x1000xi32, #tpu.memory_space<hbm>> -> memref<10x1000xi32, #tpu.memory_space<hbm>>
      %dma_wait3A_19 = arith.constant 0 : i32
      %dma_wait3A_20 = arith.constant 0 : i32
      %dma_wait3A_21 = tpu.memref_slice %arg2[%add3A, %dma_wait3A_19, %dma_wait3A_20] : memref<32x10x1000xi32, #tpu.memory_space<hbm>> -> memref<1x10x1000xi32, #tpu.memory_space<hbm>>
      %dma_wait3A_22 = tpu.memref_squeeze %dma_wait3A_21 : memref<1x10x1000xi32, #tpu.memory_space<hbm>> -> memref<10x1000xi32, #tpu.memory_space<hbm>>
      tpu.wait_dma2 semaphore(%run_scoped3A : memref<!tpu.dma_semaphore, #tpu.memory_space<semaphore_mem>>) src(%dma_wait3A_22 : memref<10x1000xi32, #tpu.memory_space<hbm>>) dst(%arg6 : memref<10x1000xi32, #tpu.memory_space<vmem>>)
      tpu.yield
    }) : () -> ()
    %barrier3A = arith.constant 0 : index
    tpu.barrier barrier_id(%barrier3A)
    %scan3A = arith.constant 0 : i32
    %scan3A_3 = arith.constant 0 : i32
    %scan3A_4 = arith.constant 10 : i32
    %scan3A_5 = arith.addi %scan3A_3, %scan3A_4 : i32
    %scan3A_6 = arith.constant 1 : i32
    scf.for %scan3A_9 = %scan3A_3 to %scan3A_5 step %scan3A_6  : i32 {
      "tpu.region"() ({
        %run_scoped3A = tpu.sem_alloc : memref<!tpu.dma_semaphore, #tpu.memory_space<semaphore_mem>>
        %dma_start3A = arith.constant 0 : i32
        %dma_start3A_10 = tpu.memref_slice %arg6[%scan3A_9, %dma_start3A] : memref<10x1000xi32, #tpu.memory_space<vmem>> -> memref<1x1000xi32, #tpu.memory_space<vmem>>
        %dma_start3A_11 = tpu.memref_squeeze %dma_start3A_10 : memref<1x1000xi32, #tpu.memory_space<vmem>> -> memref<1000xi32, #tpu.memory_space<vmem>>
        %dma_start3A_12 = arith.constant 0 : i32
        %dma_start3A_13 = arith.constant 0 : i32
        %dma_start3A_14 = tpu.memref_slice %arg8[%dma_start3A_12, %dma_start3A_13] : memref<10112x16xf32, #tpu.memory_space<vmem_shared>> -> memref<10112x16xf32, #tpu.memory_space<vmem_shared>>
        tpu.enqueue_indirect_dma source(%arg7 : memref<1000x16xf32, #tpu.memory_space<vmem>>) target(%dma_start3A_14 : memref<10112x16xf32, #tpu.memory_space<vmem_shared>>) offsets(%dma_start3A_11 : memref<1000xi32, #tpu.memory_space<vmem>>) semaphore(%run_scoped3A : memref<!tpu.dma_semaphore, #tpu.memory_space<semaphore_mem>>) {add = true}
        %dma_wait3A = arith.constant 0 : i32
        %dma_wait3A_15 = tpu.memref_slice %arg6[%scan3A_9, %dma_wait3A] : memref<10x1000xi32, #tpu.memory_space<vmem>> -> memref<1x1000xi32, #tpu.memory_space<vmem>>
        %dma_wait3A_16 = tpu.memref_squeeze %dma_wait3A_15 : memref<1x1000xi32, #tpu.memory_space<vmem>> -> memref<1000xi32, #tpu.memory_space<vmem>>
        %dma_wait3A_17 = arith.constant 0 : i32
        %dma_wait3A_18 = arith.constant 0 : i32
        %dma_wait3A_19 = tpu.memref_slice %arg8[%dma_wait3A_17, %dma_wait3A_18] : memref<10112x16xf32, #tpu.memory_space<vmem_shared>> -> memref<10112x16xf32, #tpu.memory_space<vmem_shared>>
        tpu.wait_indirect_dma semaphore(%run_scoped3A : memref<!tpu.dma_semaphore, #tpu.memory_space<semaphore_mem>>) src(%arg7 : memref<1000x16xf32, #tpu.memory_space<vmem>>) dst(%dma_wait3A_19 : memref<10112x16xf32, #tpu.memory_space<vmem_shared>>)
        tpu.yield
      }) : () -> ()
    }
    %scan3A_7 = arith.constant 10 : i32
    %barrier3A_8 = arith.constant 0 : index
    tpu.barrier barrier_id(%barrier3A_8)
    "tpu.region"() ({
      %run_scoped3A = tpu.sem_alloc : memref<!tpu.dma_semaphore, #tpu.memory_space<semaphore_mem>>
      %dma_start3A = arith.constant 0 : i32
      %dma_start3A_9 = tpu.memref_slice %arg5[%arg0, %mul3A_2, %dma_start3A] : memref<2x10112x16xf32, #tpu.memory_space<hbm>> -> memref<1x632x16xf32, #tpu.memory_space<hbm>>
      %dma_start3A_10 = tpu.memref_squeeze %dma_start3A_9 : memref<1x632x16xf32, #tpu.memory_space<hbm>> -> memref<632x16xf32, #tpu.memory_space<hbm>>
      %dma_start3A_11 = arith.constant 0 : i32
      %dma_start3A_12 = tpu.memref_slice %arg8[%mul3A_2, %dma_start3A_11] : memref<10112x16xf32, #tpu.memory_space<vmem_shared>> -> memref<632x16xf32, #tpu.memory_space<vmem_shared>>
      tpu.enqueue_dma source(%dma_start3A_12 : memref<632x16xf32, #tpu.memory_space<vmem_shared>>) target(%dma_start3A_10 : memref<632x16xf32, #tpu.memory_space<hbm>>) target_semaphore(%run_scoped3A : memref<!tpu.dma_semaphore, #tpu.memory_space<semaphore_mem>>)
      %dma_wait3A = arith.constant 0 : i32
      %dma_wait3A_13 = tpu.memref_slice %arg5[%arg0, %mul3A_2, %dma_wait3A] : memref<2x10112x16xf32, #tpu.memory_space<hbm>> -> memref<1x632x16xf32, #tpu.memory_space<hbm>>
      %dma_wait3A_14 = tpu.memref_squeeze %dma_wait3A_13 : memref<1x632x16xf32, #tpu.memory_space<hbm>> -> memref<632x16xf32, #tpu.memory_space<hbm>>
      %dma_wait3A_15 = arith.constant 0 : i32
      %dma_wait3A_16 = tpu.memref_slice %arg8[%mul3A_2, %dma_wait3A_15] : memref<10112x16xf32, #tpu.memory_space<vmem_shared>> -> memref<632x16xf32, #tpu.memory_space<vmem_shared>>
      tpu.wait_dma2 semaphore(%run_scoped3A : memref<!tpu.dma_semaphore, #tpu.memory_space<semaphore_mem>>) src(%dma_wait3A_16 : memref<632x16xf32, #tpu.memory_space<vmem_shared>>) dst(%dma_wait3A_14 : memref<632x16xf32, #tpu.memory_space<hbm>>)
      tpu.yield
    }) : () -> ()
    return
  }
}

#map = affine_map<(d0, d1) -> (0, 0)>
#map1 = affine_map<(d0, d1) -> (0, 0, 0)>
module attributes {stable_mosaic.version = 14 : i64} {
  func.func @agg(%arg0: i32, %arg1: i32, %arg2: memref<10112x32xf32, #tpu.memory_space<hbm>>, %arg3: memref<32x10x1000xi32, #tpu.memory_space<hbm>>, %arg4: memref<32x10x1000xi32, #tpu.memory_space<hbm>>, %arg5: memref<632x32xf32, #tpu.memory_space<hbm>>, %arg6: memref<2x10112x32xf32, #tpu.memory_space<hbm>>, %arg7: memref<10x1000xi32, #tpu.memory_space<vmem>>, %arg8: memref<10x1000xi32, #tpu.memory_space<vmem>>, %arg9: memref<1000x32xf32, #tpu.memory_space<vmem>>, %arg10: memref<10112x32xf32, #tpu.memory_space<vmem_shared>>, %arg11: memref<10112x32xf32, #tpu.memory_space<vmem_shared>>, %arg12: memref<!tpu.dma_semaphore, #tpu.memory_space<semaphore_mem>>) attributes {dimension_semantics = [#tpu.dimension_semantics<core_parallel>, #tpu.dimension_semantics<subcore_parallel>], iteration_bounds = array<i64: 2, 16>, scalar_prefetch = 0 : i64, scratch_operands = 6 : i64, tpu.core_type = #tpu.core_type<sc_vector_subcore>, window_params = [{transform_indices = #map}, {transform_indices = #map1}, {transform_indices = #map1}, {transform_indices = #map}, {transform_indices = #map1}]} {
    %mul3A = arith.constant 2 : i32
    %mul3A_0 = arith.muli %arg1, %mul3A : i32
    %add3A = arith.addi %mul3A_0, %arg0 : i32
    %mul3A_1 = arith.constant 632 : i32
    %mul3A_2 = arith.muli %arg1, %mul3A_1 : i32
    "tpu.region"() ({
      %run_scoped3A = tpu.sem_alloc : memref<!tpu.dma_semaphore, #tpu.memory_space<semaphore_mem>>
      %dma_start3A = arith.constant 0 : i32
      %dma_start3A_9 = tpu.memref_slice %arg10[%mul3A_2, %dma_start3A] : memref<10112x32xf32, #tpu.memory_space<vmem_shared>> -> memref<632x32xf32, #tpu.memory_space<vmem_shared>>
      tpu.enqueue_dma source(%arg5 : memref<632x32xf32, #tpu.memory_space<hbm>>) target(%dma_start3A_9 : memref<632x32xf32, #tpu.memory_space<vmem_shared>>) target_semaphore(%run_scoped3A : memref<!tpu.dma_semaphore, #tpu.memory_space<semaphore_mem>>)
      %dma_wait3A = arith.constant 0 : i32
      %dma_wait3A_10 = tpu.memref_slice %arg10[%mul3A_2, %dma_wait3A] : memref<10112x32xf32, #tpu.memory_space<vmem_shared>> -> memref<632x32xf32, #tpu.memory_space<vmem_shared>>
      tpu.wait_dma2 semaphore(%run_scoped3A : memref<!tpu.dma_semaphore, #tpu.memory_space<semaphore_mem>>) src(%arg5 : memref<632x32xf32, #tpu.memory_space<hbm>>) dst(%dma_wait3A_10 : memref<632x32xf32, #tpu.memory_space<vmem_shared>>)
      tpu.yield
    }) : () -> ()
    "tpu.region"() ({
      %run_scoped3A = tpu.sem_alloc : memref<!tpu.dma_semaphore, #tpu.memory_space<semaphore_mem>>
      %dma_start3A = arith.constant 0 : i32
      %dma_start3A_9 = tpu.memref_slice %arg11[%mul3A_2, %dma_start3A] : memref<10112x32xf32, #tpu.memory_space<vmem_shared>> -> memref<632x32xf32, #tpu.memory_space<vmem_shared>>
      %dma_start3A_10 = arith.constant 0 : i32
      %dma_start3A_11 = tpu.memref_slice %arg2[%mul3A_2, %dma_start3A_10] : memref<10112x32xf32, #tpu.memory_space<hbm>> -> memref<632x32xf32, #tpu.memory_space<hbm>>
      tpu.enqueue_dma source(%dma_start3A_11 : memref<632x32xf32, #tpu.memory_space<hbm>>) target(%dma_start3A_9 : memref<632x32xf32, #tpu.memory_space<vmem_shared>>) target_semaphore(%run_scoped3A : memref<!tpu.dma_semaphore, #tpu.memory_space<semaphore_mem>>)
      %dma_wait3A = arith.constant 0 : i32
      %dma_wait3A_12 = tpu.memref_slice %arg11[%mul3A_2, %dma_wait3A] : memref<10112x32xf32, #tpu.memory_space<vmem_shared>> -> memref<632x32xf32, #tpu.memory_space<vmem_shared>>
      %dma_wait3A_13 = arith.constant 0 : i32
      %dma_wait3A_14 = tpu.memref_slice %arg2[%mul3A_2, %dma_wait3A_13] : memref<10112x32xf32, #tpu.memory_space<hbm>> -> memref<632x32xf32, #tpu.memory_space<hbm>>
      tpu.wait_dma2 semaphore(%run_scoped3A : memref<!tpu.dma_semaphore, #tpu.memory_space<semaphore_mem>>) src(%dma_wait3A_14 : memref<632x32xf32, #tpu.memory_space<hbm>>) dst(%dma_wait3A_12 : memref<632x32xf32, #tpu.memory_space<vmem_shared>>)
      tpu.yield
    }) : () -> ()
    "tpu.region"() ({
      %run_scoped3A = tpu.sem_alloc : memref<!tpu.dma_semaphore, #tpu.memory_space<semaphore_mem>>
      %dma_start3A = arith.constant 0 : i32
      %dma_start3A_9 = arith.constant 0 : i32
      %dma_start3A_10 = tpu.memref_slice %arg3[%add3A, %dma_start3A, %dma_start3A_9] : memref<32x10x1000xi32, #tpu.memory_space<hbm>> -> memref<1x10x1000xi32, #tpu.memory_space<hbm>>
      %dma_start3A_11 = tpu.memref_squeeze %dma_start3A_10 : memref<1x10x1000xi32, #tpu.memory_space<hbm>> -> memref<10x1000xi32, #tpu.memory_space<hbm>>
      %dma_start3A_12 = arith.constant 0 : i32
      %dma_start3A_13 = arith.constant 0 : i32
      %dma_start3A_14 = tpu.memref_slice %arg3[%add3A, %dma_start3A_12, %dma_start3A_13] : memref<32x10x1000xi32, #tpu.memory_space<hbm>> -> memref<1x10x1000xi32, #tpu.memory_space<hbm>>
      %dma_start3A_15 = tpu.memref_squeeze %dma_start3A_14 : memref<1x10x1000xi32, #tpu.memory_space<hbm>> -> memref<10x1000xi32, #tpu.memory_space<hbm>>
      tpu.enqueue_dma source(%dma_start3A_15 : memref<10x1000xi32, #tpu.memory_space<hbm>>) target(%arg7 : memref<10x1000xi32, #tpu.memory_space<vmem>>) target_semaphore(%run_scoped3A : memref<!tpu.dma_semaphore, #tpu.memory_space<semaphore_mem>>)
      %dma_wait3A = arith.constant 0 : i32
      %dma_wait3A_16 = arith.constant 0 : i32
      %dma_wait3A_17 = tpu.memref_slice %arg3[%add3A, %dma_wait3A, %dma_wait3A_16] : memref<32x10x1000xi32, #tpu.memory_space<hbm>> -> memref<1x10x1000xi32, #tpu.memory_space<hbm>>
      %dma_wait3A_18 = tpu.memref_squeeze %dma_wait3A_17 : memref<1x10x1000xi32, #tpu.memory_space<hbm>> -> memref<10x1000xi32, #tpu.memory_space<hbm>>
      %dma_wait3A_19 = arith.constant 0 : i32
      %dma_wait3A_20 = arith.constant 0 : i32
      %dma_wait3A_21 = tpu.memref_slice %arg3[%add3A, %dma_wait3A_19, %dma_wait3A_20] : memref<32x10x1000xi32, #tpu.memory_space<hbm>> -> memref<1x10x1000xi32, #tpu.memory_space<hbm>>
      %dma_wait3A_22 = tpu.memref_squeeze %dma_wait3A_21 : memref<1x10x1000xi32, #tpu.memory_space<hbm>> -> memref<10x1000xi32, #tpu.memory_space<hbm>>
      tpu.wait_dma2 semaphore(%run_scoped3A : memref<!tpu.dma_semaphore, #tpu.memory_space<semaphore_mem>>) src(%dma_wait3A_22 : memref<10x1000xi32, #tpu.memory_space<hbm>>) dst(%arg7 : memref<10x1000xi32, #tpu.memory_space<vmem>>)
      tpu.yield
    }) : () -> ()
    "tpu.region"() ({
      %run_scoped3A = tpu.sem_alloc : memref<!tpu.dma_semaphore, #tpu.memory_space<semaphore_mem>>
      %dma_start3A = arith.constant 0 : i32
      %dma_start3A_9 = arith.constant 0 : i32
      %dma_start3A_10 = tpu.memref_slice %arg4[%add3A, %dma_start3A, %dma_start3A_9] : memref<32x10x1000xi32, #tpu.memory_space<hbm>> -> memref<1x10x1000xi32, #tpu.memory_space<hbm>>
      %dma_start3A_11 = tpu.memref_squeeze %dma_start3A_10 : memref<1x10x1000xi32, #tpu.memory_space<hbm>> -> memref<10x1000xi32, #tpu.memory_space<hbm>>
      %dma_start3A_12 = arith.constant 0 : i32
      %dma_start3A_13 = arith.constant 0 : i32
      %dma_start3A_14 = tpu.memref_slice %arg4[%add3A, %dma_start3A_12, %dma_start3A_13] : memref<32x10x1000xi32, #tpu.memory_space<hbm>> -> memref<1x10x1000xi32, #tpu.memory_space<hbm>>
      %dma_start3A_15 = tpu.memref_squeeze %dma_start3A_14 : memref<1x10x1000xi32, #tpu.memory_space<hbm>> -> memref<10x1000xi32, #tpu.memory_space<hbm>>
      tpu.enqueue_dma source(%dma_start3A_15 : memref<10x1000xi32, #tpu.memory_space<hbm>>) target(%arg8 : memref<10x1000xi32, #tpu.memory_space<vmem>>) target_semaphore(%run_scoped3A : memref<!tpu.dma_semaphore, #tpu.memory_space<semaphore_mem>>)
      %dma_wait3A = arith.constant 0 : i32
      %dma_wait3A_16 = arith.constant 0 : i32
      %dma_wait3A_17 = tpu.memref_slice %arg4[%add3A, %dma_wait3A, %dma_wait3A_16] : memref<32x10x1000xi32, #tpu.memory_space<hbm>> -> memref<1x10x1000xi32, #tpu.memory_space<hbm>>
      %dma_wait3A_18 = tpu.memref_squeeze %dma_wait3A_17 : memref<1x10x1000xi32, #tpu.memory_space<hbm>> -> memref<10x1000xi32, #tpu.memory_space<hbm>>
      %dma_wait3A_19 = arith.constant 0 : i32
      %dma_wait3A_20 = arith.constant 0 : i32
      %dma_wait3A_21 = tpu.memref_slice %arg4[%add3A, %dma_wait3A_19, %dma_wait3A_20] : memref<32x10x1000xi32, #tpu.memory_space<hbm>> -> memref<1x10x1000xi32, #tpu.memory_space<hbm>>
      %dma_wait3A_22 = tpu.memref_squeeze %dma_wait3A_21 : memref<1x10x1000xi32, #tpu.memory_space<hbm>> -> memref<10x1000xi32, #tpu.memory_space<hbm>>
      tpu.wait_dma2 semaphore(%run_scoped3A : memref<!tpu.dma_semaphore, #tpu.memory_space<semaphore_mem>>) src(%dma_wait3A_22 : memref<10x1000xi32, #tpu.memory_space<hbm>>) dst(%arg8 : memref<10x1000xi32, #tpu.memory_space<vmem>>)
      tpu.yield
    }) : () -> ()
    %barrier3A = arith.constant 0 : index
    tpu.barrier barrier_id(%barrier3A)
    %scan3A = arith.constant 0 : i32
    %scan3A_3 = arith.constant 0 : i32
    %scan3A_4 = arith.constant 10 : i32
    %scan3A_5 = arith.addi %scan3A_3, %scan3A_4 : i32
    %scan3A_6 = arith.constant 1 : i32
    scf.for %scan3A_9 = %scan3A_3 to %scan3A_5 step %scan3A_6  : i32 {
      %dma_start3A = arith.constant 0 : i32
      %dma_start3A_10 = tpu.memref_slice %arg7[%scan3A_9, %dma_start3A] : memref<10x1000xi32, #tpu.memory_space<vmem>> -> memref<1x1000xi32, #tpu.memory_space<vmem>>
      %dma_start3A_11 = tpu.memref_squeeze %dma_start3A_10 : memref<1x1000xi32, #tpu.memory_space<vmem>> -> memref<1000xi32, #tpu.memory_space<vmem>>
      %dma_start3A_12 = arith.constant 0 : i32
      %dma_start3A_13 = arith.constant 0 : i32
      %dma_start3A_14 = tpu.memref_slice %arg11[%dma_start3A_12, %dma_start3A_13] : memref<10112x32xf32, #tpu.memory_space<vmem_shared>> -> memref<10112x32xf32, #tpu.memory_space<vmem_shared>>
      tpu.enqueue_indirect_dma source(%dma_start3A_14 : memref<10112x32xf32, #tpu.memory_space<vmem_shared>>) target(%arg9 : memref<1000x32xf32, #tpu.memory_space<vmem>>) offsets(%dma_start3A_11 : memref<1000xi32, #tpu.memory_space<vmem>>) semaphore(%arg12 : memref<!tpu.dma_semaphore, #tpu.memory_space<semaphore_mem>>)
      %dma_wait3A = arith.constant 0 : i32
      %dma_wait3A_15 = tpu.memref_slice %arg7[%scan3A_9, %dma_wait3A] : memref<10x1000xi32, #tpu.memory_space<vmem>> -> memref<1x1000xi32, #tpu.memory_space<vmem>>
      %dma_wait3A_16 = tpu.memref_squeeze %dma_wait3A_15 : memref<1x1000xi32, #tpu.memory_space<vmem>> -> memref<1000xi32, #tpu.memory_space<vmem>>
      %dma_wait3A_17 = arith.constant 0 : i32
      %dma_wait3A_18 = arith.constant 0 : i32
      %dma_wait3A_19 = tpu.memref_slice %arg11[%dma_wait3A_17, %dma_wait3A_18] : memref<10112x32xf32, #tpu.memory_space<vmem_shared>> -> memref<10112x32xf32, #tpu.memory_space<vmem_shared>>
      tpu.wait_indirect_dma semaphore(%arg12 : memref<!tpu.dma_semaphore, #tpu.memory_space<semaphore_mem>>) src(%dma_wait3A_19 : memref<10112x32xf32, #tpu.memory_space<vmem_shared>>) dst(%arg9 : memref<1000x32xf32, #tpu.memory_space<vmem>>)
      "tpu.region"() ({
        %run_scoped3A = tpu.sem_alloc : memref<!tpu.dma_semaphore, #tpu.memory_space<semaphore_mem>>
        %dma_start3A_20 = arith.constant 0 : i32
        %dma_start3A_21 = tpu.memref_slice %arg8[%scan3A_9, %dma_start3A_20] : memref<10x1000xi32, #tpu.memory_space<vmem>> -> memref<1x1000xi32, #tpu.memory_space<vmem>>
        %dma_start3A_22 = tpu.memref_squeeze %dma_start3A_21 : memref<1x1000xi32, #tpu.memory_space<vmem>> -> memref<1000xi32, #tpu.memory_space<vmem>>
        %dma_start3A_23 = arith.constant 0 : i32
        %dma_start3A_24 = arith.constant 0 : i32
        %dma_start3A_25 = tpu.memref_slice %arg10[%dma_start3A_23, %dma_start3A_24] : memref<10112x32xf32, #tpu.memory_space<vmem_shared>> -> memref<10112x32xf32, #tpu.memory_space<vmem_shared>>
        tpu.enqueue_indirect_dma source(%arg9 : memref<1000x32xf32, #tpu.memory_space<vmem>>) target(%dma_start3A_25 : memref<10112x32xf32, #tpu.memory_space<vmem_shared>>) offsets(%dma_start3A_22 : memref<1000xi32, #tpu.memory_space<vmem>>) semaphore(%run_scoped3A : memref<!tpu.dma_semaphore, #tpu.memory_space<semaphore_mem>>) {add = true}
        %dma_wait3A_26 = arith.constant 0 : i32
        %dma_wait3A_27 = tpu.memref_slice %arg8[%scan3A_9, %dma_wait3A_26] : memref<10x1000xi32, #tpu.memory_space<vmem>> -> memref<1x1000xi32, #tpu.memory_space<vmem>>
        %dma_wait3A_28 = tpu.memref_squeeze %dma_wait3A_27 : memref<1x1000xi32, #tpu.memory_space<vmem>> -> memref<1000xi32, #tpu.memory_space<vmem>>
        %dma_wait3A_29 = arith.constant 0 : i32
        %dma_wait3A_30 = arith.constant 0 : i32
        %dma_wait3A_31 = tpu.memref_slice %arg10[%dma_wait3A_29, %dma_wait3A_30] : memref<10112x32xf32, #tpu.memory_space<vmem_shared>> -> memref<10112x32xf32, #tpu.memory_space<vmem_shared>>
        tpu.wait_indirect_dma semaphore(%run_scoped3A : memref<!tpu.dma_semaphore, #tpu.memory_space<semaphore_mem>>) src(%arg9 : memref<1000x32xf32, #tpu.memory_space<vmem>>) dst(%dma_wait3A_31 : memref<10112x32xf32, #tpu.memory_space<vmem_shared>>)
        tpu.yield
      }) : () -> ()
    }
    %scan3A_7 = arith.constant 10 : i32
    %barrier3A_8 = arith.constant 0 : index
    tpu.barrier barrier_id(%barrier3A_8)
    "tpu.region"() ({
      %run_scoped3A = tpu.sem_alloc : memref<!tpu.dma_semaphore, #tpu.memory_space<semaphore_mem>>
      %dma_start3A = arith.constant 0 : i32
      %dma_start3A_9 = tpu.memref_slice %arg6[%arg0, %mul3A_2, %dma_start3A] : memref<2x10112x32xf32, #tpu.memory_space<hbm>> -> memref<1x632x32xf32, #tpu.memory_space<hbm>>
      %dma_start3A_10 = tpu.memref_squeeze %dma_start3A_9 : memref<1x632x32xf32, #tpu.memory_space<hbm>> -> memref<632x32xf32, #tpu.memory_space<hbm>>
      %dma_start3A_11 = arith.constant 0 : i32
      %dma_start3A_12 = tpu.memref_slice %arg10[%mul3A_2, %dma_start3A_11] : memref<10112x32xf32, #tpu.memory_space<vmem_shared>> -> memref<632x32xf32, #tpu.memory_space<vmem_shared>>
      tpu.enqueue_dma source(%dma_start3A_12 : memref<632x32xf32, #tpu.memory_space<vmem_shared>>) target(%dma_start3A_10 : memref<632x32xf32, #tpu.memory_space<hbm>>) target_semaphore(%run_scoped3A : memref<!tpu.dma_semaphore, #tpu.memory_space<semaphore_mem>>)
      %dma_wait3A = arith.constant 0 : i32
      %dma_wait3A_13 = tpu.memref_slice %arg6[%arg0, %mul3A_2, %dma_wait3A] : memref<2x10112x32xf32, #tpu.memory_space<hbm>> -> memref<1x632x32xf32, #tpu.memory_space<hbm>>
      %dma_wait3A_14 = tpu.memref_squeeze %dma_wait3A_13 : memref<1x632x32xf32, #tpu.memory_space<hbm>> -> memref<632x32xf32, #tpu.memory_space<hbm>>
      %dma_wait3A_15 = arith.constant 0 : i32
      %dma_wait3A_16 = tpu.memref_slice %arg10[%mul3A_2, %dma_wait3A_15] : memref<10112x32xf32, #tpu.memory_space<vmem_shared>> -> memref<632x32xf32, #tpu.memory_space<vmem_shared>>
      tpu.wait_dma2 semaphore(%run_scoped3A : memref<!tpu.dma_semaphore, #tpu.memory_space<semaphore_mem>>) src(%dma_wait3A_16 : memref<632x32xf32, #tpu.memory_space<vmem_shared>>) dst(%dma_wait3A_14 : memref<632x32xf32, #tpu.memory_space<hbm>>)
      tpu.yield
    }) : () -> ()
    return
  }
}

module attributes {stable_mosaic.version = 14 : i64} {
  func.func @_tc_pre_body(%arg0: i32, %arg1: memref<2x2528x16xf32, #tpu.memory_space<vmem>>, %arg2: memref<2528x128xf32, #tpu.memory_space<vmem>>, %arg3: memref<128x64xf32, #tpu.memory_space<vmem>>, %arg4: memref<2528x64xf32, #tpu.memory_space<vmem>>, %arg5: memref<2528x1xf32, #tpu.memory_space<vmem>>) attributes {dimension_semantics = [#tpu.dimension_semantics<arbitrary>], iteration_bounds = array<i64: 4>, scalar_prefetch = 0 : i64, scratch_operands = 0 : i64, tpu.core_type = #tpu.core_type<tc>, window_params = [{transform_indices = @transform_0, window_bounds = array<i64: 2, 2528, 16>}, {transform_indices = @transform_1, window_bounds = array<i64: 2528, 128>}, {pipeline_mode = #tpu.pipeline_mode<synchronous>, transform_indices = @transform_2, window_bounds = array<i64: 128, 64>}, {transform_indices = @transform_3, window_bounds = array<i64: 2528, 64>}, {transform_indices = @transform_4, window_bounds = array<i64: 2528, 1>}]} {
    %get3A = arith.constant 0 : index
    %get3A_0 = arith.constant 0 : index
    %get3A_1 = arith.constant 0 : index
    %get3A_2 = vector.load %arg1[%get3A, %get3A_0, %get3A_1] : memref<2x2528x16xf32, #tpu.memory_space<vmem>>, vector<1x2528x1xf32>
    %get3A_3 = vector.shape_cast %get3A_2 : vector<1x2528x1xf32> to vector<2528x1xf32>
    %get3A_4 = arith.constant 1 : index
    %get3A_5 = arith.constant 0 : index
    %get3A_6 = arith.constant 0 : index
    %get3A_7 = vector.load %arg1[%get3A_4, %get3A_5, %get3A_6] : memref<2x2528x16xf32, #tpu.memory_space<vmem>>, vector<1x2528x1xf32>
    %get3A_8 = vector.shape_cast %get3A_7 : vector<1x2528x1xf32> to vector<2528x1xf32>
    %add3A = arith.addf %get3A_3, %get3A_8 : vector<2528x1xf32>
    %add3A_9 = arith.constant 1.000000e+00 : f32
    %add3A_10 = vector.broadcast %add3A_9 : f32 to vector<2528x1xf32>
    %add3A_11 = arith.addf %add3A, %add3A_10 : vector<2528x1xf32>
    %rsqrt3A = math.rsqrt %add3A_11 : vector<2528x1xf32>
    %get3A_12 = arith.constant 0 : index
    %get3A_13 = arith.constant 0 : index
    %get3A_14 = vector.load %arg2[%get3A_12, %get3A_13] : memref<2528x128xf32, #tpu.memory_space<vmem>>, vector<2528x128xf32>
    %get3A_15 = arith.constant 0 : index
    %get3A_16 = arith.constant 0 : index
    %get3A_17 = vector.load %arg3[%get3A_15, %get3A_16] : memref<128x64xf32, #tpu.memory_space<vmem>>, vector<128x64xf32>
    %dot_general3A = arith.constant dense<0.000000e+00> : vector<2528x64xf32>
    %dot_general3A_18 = tpu.matmul %get3A_14, %get3A_17, %dot_general3A {dimension_numbers = #tpu.dot_dimension_numbers<[1], [0], [0], [1], [0, 0, 1, 1], [], []>, transpose_lhs_hint = false} : vector<2528x128xf32>, vector<128x64xf32>, vector<2528x64xf32> -> vector<2528x64xf32>
    %mul3A = arith.constant 2528 : i32
    %mul3A_19 = arith.muli %arg0, %mul3A : i32
    %iota3A = tpu.iota {dimensions = array<i32: 0>} : vector<2528x1xi32>
    %add3A_20 = vector.broadcast %mul3A_19 : i32 to vector<2528x1xi32>
    %add3A_21 = arith.addi %add3A_20, %iota3A : vector<2528x1xi32>
    %lt3A = arith.constant 10000 : i32
    %lt3A_22 = vector.broadcast %lt3A : i32 to vector<2528x1xi32>
    %lt3A_23 = arith.cmpi slt, %add3A_21, %lt3A_22 : vector<2528x1xi32>
    %mul3A_24 = vector.broadcast %rsqrt3A : vector<2528x1xf32> to vector<2528x64xf32>
    %mul3A_25 = arith.mulf %dot_general3A_18, %mul3A_24 : vector<2528x64xf32>
    %jit3A = arith.constant 0.000000e+00 : f32
    %broadcast_in_dim3A = vector.shape_cast %lt3A_23 : vector<2528x1xi1> to vector<2528x1xi1>
    %broadcast_in_dim3A_26 = vector.broadcast %broadcast_in_dim3A : vector<2528x1xi1> to vector<2528x64xi1>
    %broadcast_in_dim3A_27 = vector.broadcast %jit3A : f32 to vector<2528x64xf32>
    %select_n3A = arith.select %broadcast_in_dim3A_26, %mul3A_25, %broadcast_in_dim3A_27 : vector<2528x64xi1>, vector<2528x64xf32>
    %swap3A = arith.constant 0 : index
    %swap3A_28 = arith.constant 0 : index
    %swap3A_29 = vector.load %arg4[%swap3A, %swap3A_28] : memref<2528x64xf32, #tpu.memory_space<vmem>>, vector<2528x64xf32>
    tpu.vector_store %arg4[%swap3A, %swap3A_28], %select_n3A {strides = array<i32>} : memref<2528x64xf32, #tpu.memory_space<vmem>>, vector<2528x64xf32>,
    %swap3A_30 = arith.constant 0 : index
    %swap3A_31 = arith.constant 0 : index
    %swap3A_32 = vector.load %arg5[%swap3A_30, %swap3A_31] : memref<2528x1xf32, #tpu.memory_space<vmem>>, vector<2528x1xf32>
    tpu.vector_store %arg5[%swap3A_30, %swap3A_31], %rsqrt3A {strides = array<i32>} : memref<2528x1xf32, #tpu.memory_space<vmem>>, vector<2528x1xf32>,
    return
  }
  func.func @transform_0(%arg0: i32) -> (i32, i32, i32) {
    %c0_i32 = arith.constant 0 : i32
    %c0_i32_0 = arith.constant 0 : i32
    %c0_i32_1 = arith.constant 0 : i32
    return %c0_i32, %arg0, %c0_i32_0 : i32, i32, i32
  }
  func.func @transform_1(%arg0: i32) -> (i32, i32) {
    %c0_i32 = arith.constant 0 : i32
    %c0_i32_0 = arith.constant 0 : i32
    return %arg0, %c0_i32 : i32, i32
  }
  func.func @transform_2(%arg0: i32) -> (i32, i32) {
    %c0_i32 = arith.constant 0 : i32
    %c0_i32_0 = arith.constant 0 : i32
    %c0_i32_1 = arith.constant 0 : i32
    return %c0_i32, %c0_i32_0 : i32, i32
  }
  func.func @transform_3(%arg0: i32) -> (i32, i32) {
    %c0_i32 = arith.constant 0 : i32
    %c0_i32_0 = arith.constant 0 : i32
    return %arg0, %c0_i32 : i32, i32
  }
  func.func @transform_4(%arg0: i32) -> (i32, i32) {
    %c0_i32 = arith.constant 0 : i32
    %c0_i32_0 = arith.constant 0 : i32
    return %arg0, %c0_i32 : i32, i32
  }
}

module attributes {stable_mosaic.version = 14 : i64} {
  func.func @_tc_mid_body(%arg0: i32, %arg1: memref<2x2528x64xf32, #tpu.memory_space<vmem>>, %arg2: memref<2528x64xf32, #tpu.memory_space<vmem>>, %arg3: memref<2528x1xf32, #tpu.memory_space<vmem>>, %arg4: memref<1x64xf32, #tpu.memory_space<vmem>>, %arg5: memref<64x32xf32, #tpu.memory_space<vmem>>, %arg6: memref<2528x32xf32, #tpu.memory_space<vmem>>) attributes {dimension_semantics = [#tpu.dimension_semantics<arbitrary>], iteration_bounds = array<i64: 4>, scalar_prefetch = 0 : i64, scratch_operands = 0 : i64, tpu.core_type = #tpu.core_type<tc>, window_params = [{transform_indices = @transform_0, window_bounds = array<i64: 2, 2528, 64>}, {transform_indices = @transform_1, window_bounds = array<i64: 2528, 64>}, {transform_indices = @transform_2, window_bounds = array<i64: 2528, 1>}, {pipeline_mode = #tpu.pipeline_mode<synchronous>, transform_indices = @transform_3, window_bounds = array<i64: 1, 64>}, {pipeline_mode = #tpu.pipeline_mode<synchronous>, transform_indices = @transform_4, window_bounds = array<i64: 64, 32>}, {transform_indices = @transform_5, window_bounds = array<i64: 2528, 32>}]} {
    %get3A = arith.constant 0 : index
    %get3A_0 = arith.constant 0 : index
    %get3A_1 = vector.load %arg3[%get3A, %get3A_0] : memref<2528x1xf32, #tpu.memory_space<vmem>>, vector<2528x1xf32>
    %get3A_2 = arith.constant 0 : index
    %get3A_3 = arith.constant 0 : index
    %get3A_4 = arith.constant 0 : index
    %get3A_5 = vector.load %arg1[%get3A_2, %get3A_3, %get3A_4] : memref<2x2528x64xf32, #tpu.memory_space<vmem>>, vector<1x2528x64xf32>
    %get3A_6 = vector.shape_cast %get3A_5 : vector<1x2528x64xf32> to vector<2528x64xf32>
    %get3A_7 = arith.constant 1 : index
    %get3A_8 = arith.constant 0 : index
    %get3A_9 = arith.constant 0 : index
    %get3A_10 = vector.load %arg1[%get3A_7, %get3A_8, %get3A_9] : memref<2x2528x64xf32, #tpu.memory_space<vmem>>, vector<1x2528x64xf32>
    %get3A_11 = vector.shape_cast %get3A_10 : vector<1x2528x64xf32> to vector<2528x64xf32>
    %add3A = arith.addf %get3A_6, %get3A_11 : vector<2528x64xf32>
    %get3A_12 = arith.constant 0 : index
    %get3A_13 = arith.constant 0 : index
    %get3A_14 = vector.load %arg2[%get3A_12, %get3A_13] : memref<2528x64xf32, #tpu.memory_space<vmem>>, vector<2528x64xf32>
    %add3A_15 = arith.addf %add3A, %get3A_14 : vector<2528x64xf32>
    %mul3A = vector.broadcast %get3A_1 : vector<2528x1xf32> to vector<2528x64xf32>
    %mul3A_16 = arith.mulf %mul3A, %add3A_15 : vector<2528x64xf32>
    %get3A_17 = arith.constant 0 : index
    %get3A_18 = arith.constant 0 : index
    %get3A_19 = vector.load %arg4[%get3A_17, %get3A_18] : memref<1x64xf32, #tpu.memory_space<vmem>>, vector<1x64xf32>
    %add3A_20 = vector.broadcast %get3A_19 : vector<1x64xf32> to vector<2528x64xf32>
    %add3A_21 = arith.addf %mul3A_16, %add3A_20 : vector<2528x64xf32>
    %max3A = arith.constant 0.000000e+00 : f32
    %max3A_22 = vector.broadcast %max3A : f32 to vector<2528x64xf32>
    %max3A_23 = arith.maximumf %add3A_21, %max3A_22 : vector<2528x64xf32>
    %get3A_24 = arith.constant 0 : index
    %get3A_25 = arith.constant 0 : index
    %get3A_26 = vector.load %arg5[%get3A_24, %get3A_25] : memref<64x32xf32, #tpu.memory_space<vmem>>, vector<64x32xf32>
    %dot_general3A = arith.constant dense<0.000000e+00> : vector<2528x32xf32>
    %dot_general3A_27 = tpu.matmul %max3A_23, %get3A_26, %dot_general3A {dimension_numbers = #tpu.dot_dimension_numbers<[1], [0], [0], [1], [0, 0, 1, 1], [], []>, transpose_lhs_hint = false} : vector<2528x64xf32>, vector<64x32xf32>, vector<2528x32xf32> -> vector<2528x32xf32>
    %mul3A_28 = arith.constant 2528 : i32
    %mul3A_29 = arith.muli %arg0, %mul3A_28 : i32
    %iota3A = tpu.iota {dimensions = array<i32: 0>} : vector<2528x1xi32>
    %add3A_30 = vector.broadcast %mul3A_29 : i32 to vector<2528x1xi32>
    %add3A_31 = arith.addi %add3A_30, %iota3A : vector<2528x1xi32>
    %lt3A = arith.constant 10000 : i32
    %lt3A_32 = vector.broadcast %lt3A : i32 to vector<2528x1xi32>
    %lt3A_33 = arith.cmpi slt, %add3A_31, %lt3A_32 : vector<2528x1xi32>
    %mul3A_34 = vector.broadcast %get3A_1 : vector<2528x1xf32> to vector<2528x32xf32>
    %mul3A_35 = arith.mulf %dot_general3A_27, %mul3A_34 : vector<2528x32xf32>
    %jit3A = arith.constant 0.000000e+00 : f32
    %broadcast_in_dim3A = vector.shape_cast %lt3A_33 : vector<2528x1xi1> to vector<2528x1xi1>
    %broadcast_in_dim3A_36 = vector.broadcast %broadcast_in_dim3A : vector<2528x1xi1> to vector<2528x32xi1>
    %broadcast_in_dim3A_37 = vector.broadcast %jit3A : f32 to vector<2528x32xf32>
    %select_n3A = arith.select %broadcast_in_dim3A_36, %mul3A_35, %broadcast_in_dim3A_37 : vector<2528x32xi1>, vector<2528x32xf32>
    %swap3A = arith.constant 0 : index
    %swap3A_38 = arith.constant 0 : index
    %swap3A_39 = vector.load %arg6[%swap3A, %swap3A_38] : memref<2528x32xf32, #tpu.memory_space<vmem>>, vector<2528x32xf32>
    tpu.vector_store %arg6[%swap3A, %swap3A_38], %select_n3A {strides = array<i32>} : memref<2528x32xf32, #tpu.memory_space<vmem>>, vector<2528x32xf32>,
    return
  }
  func.func @transform_0(%arg0: i32) -> (i32, i32, i32) {
    %c0_i32 = arith.constant 0 : i32
    %c0_i32_0 = arith.constant 0 : i32
    %c0_i32_1 = arith.constant 0 : i32
    return %c0_i32, %arg0, %c0_i32_0 : i32, i32, i32
  }
  func.func @transform_1(%arg0: i32) -> (i32, i32) {
    %c0_i32 = arith.constant 0 : i32
    %c0_i32_0 = arith.constant 0 : i32
    return %arg0, %c0_i32 : i32, i32
  }
  func.func @transform_2(%arg0: i32) -> (i32, i32) {
    %c0_i32 = arith.constant 0 : i32
    %c0_i32_0 = arith.constant 0 : i32
    return %arg0, %c0_i32 : i32, i32
  }
  func.func @transform_3(%arg0: i32) -> (i32, i32) {
    %c0_i32 = arith.constant 0 : i32
    %c0_i32_0 = arith.constant 0 : i32
    %c0_i32_1 = arith.constant 0 : i32
    return %c0_i32, %c0_i32_0 : i32, i32
  }
  func.func @transform_4(%arg0: i32) -> (i32, i32) {
    %c0_i32 = arith.constant 0 : i32
    %c0_i32_0 = arith.constant 0 : i32
    %c0_i32_1 = arith.constant 0 : i32
    return %c0_i32, %c0_i32_0 : i32, i32
  }
  func.func @transform_5(%arg0: i32) -> (i32, i32) {
    %c0_i32 = arith.constant 0 : i32
    %c0_i32_0 = arith.constant 0 : i32
    return %arg0, %c0_i32 : i32, i32
  }
}

module attributes {stable_mosaic.version = 14 : i64} {
  func.func @_tc_post_body(%arg0: i32, %arg1: memref<2x2528x32xf32, #tpu.memory_space<vmem>>, %arg2: memref<2528x32xf32, #tpu.memory_space<vmem>>, %arg3: memref<2528x1xf32, #tpu.memory_space<vmem>>, %arg4: memref<1x32xf32, #tpu.memory_space<vmem>>, %arg5: memref<32x1xf32, #tpu.memory_space<vmem>>, %arg6: memref<1x1xf32, #tpu.memory_space<vmem>>, %arg7: memref<2528x1xf32, #tpu.memory_space<vmem>>) attributes {dimension_semantics = [#tpu.dimension_semantics<arbitrary>], iteration_bounds = array<i64: 4>, scalar_prefetch = 0 : i64, scratch_operands = 0 : i64, tpu.core_type = #tpu.core_type<tc>, window_params = [{transform_indices = @transform_0, window_bounds = array<i64: 2, 2528, 32>}, {transform_indices = @transform_1, window_bounds = array<i64: 2528, 32>}, {transform_indices = @transform_2, window_bounds = array<i64: 2528, 1>}, {pipeline_mode = #tpu.pipeline_mode<synchronous>, transform_indices = @transform_3, window_bounds = array<i64: 1, 32>}, {pipeline_mode = #tpu.pipeline_mode<synchronous>, transform_indices = @transform_4, window_bounds = array<i64: 32, 1>}, {pipeline_mode = #tpu.pipeline_mode<synchronous>, transform_indices = @transform_5, window_bounds = array<i64: 1, 1>}, {transform_indices = @transform_6, window_bounds = array<i64: 2528, 1>}]} {
    %get3A = arith.constant 0 : index
    %get3A_0 = arith.constant 0 : index
    %get3A_1 = vector.load %arg3[%get3A, %get3A_0] : memref<2528x1xf32, #tpu.memory_space<vmem>>, vector<2528x1xf32>
    %get3A_2 = arith.constant 0 : index
    %get3A_3 = arith.constant 0 : index
    %get3A_4 = arith.constant 0 : index
    %get3A_5 = vector.load %arg1[%get3A_2, %get3A_3, %get3A_4] : memref<2x2528x32xf32, #tpu.memory_space<vmem>>, vector<1x2528x32xf32>
    %get3A_6 = vector.shape_cast %get3A_5 : vector<1x2528x32xf32> to vector<2528x32xf32>
    %get3A_7 = arith.constant 1 : index
    %get3A_8 = arith.constant 0 : index
    %get3A_9 = arith.constant 0 : index
    %get3A_10 = vector.load %arg1[%get3A_7, %get3A_8, %get3A_9] : memref<2x2528x32xf32, #tpu.memory_space<vmem>>, vector<1x2528x32xf32>
    %get3A_11 = vector.shape_cast %get3A_10 : vector<1x2528x32xf32> to vector<2528x32xf32>
    %add3A = arith.addf %get3A_6, %get3A_11 : vector<2528x32xf32>
    %get3A_12 = arith.constant 0 : index
    %get3A_13 = arith.constant 0 : index
    %get3A_14 = vector.load %arg2[%get3A_12, %get3A_13] : memref<2528x32xf32, #tpu.memory_space<vmem>>, vector<2528x32xf32>
    %add3A_15 = arith.addf %add3A, %get3A_14 : vector<2528x32xf32>
    %mul3A = vector.broadcast %get3A_1 : vector<2528x1xf32> to vector<2528x32xf32>
    %mul3A_16 = arith.mulf %mul3A, %add3A_15 : vector<2528x32xf32>
    %get3A_17 = arith.constant 0 : index
    %get3A_18 = arith.constant 0 : index
    %get3A_19 = vector.load %arg4[%get3A_17, %get3A_18] : memref<1x32xf32, #tpu.memory_space<vmem>>, vector<1x32xf32>
    %add3A_20 = vector.broadcast %get3A_19 : vector<1x32xf32> to vector<2528x32xf32>
    %add3A_21 = arith.addf %mul3A_16, %add3A_20 : vector<2528x32xf32>
    %max3A = arith.constant 0.000000e+00 : f32
    %max3A_22 = vector.broadcast %max3A : f32 to vector<2528x32xf32>
    %max3A_23 = arith.maximumf %add3A_21, %max3A_22 : vector<2528x32xf32>
    %get3A_24 = arith.constant 0 : index
    %get3A_25 = arith.constant 0 : index
    %get3A_26 = vector.load %arg5[%get3A_24, %get3A_25] : memref<32x1xf32, #tpu.memory_space<vmem>>, vector<32x1xf32>
    %dot_general3A = arith.constant dense<0.000000e+00> : vector<2528x1xf32>
    %dot_general3A_27 = tpu.matmul %max3A_23, %get3A_26, %dot_general3A {dimension_numbers = #tpu.dot_dimension_numbers<[1], [0], [0], [1], [0, 0, 1, 1], [], []>, transpose_lhs_hint = false} : vector<2528x32xf32>, vector<32x1xf32>, vector<2528x1xf32> -> vector<2528x1xf32>
    %get3A_28 = arith.constant 0 : index
    %get3A_29 = arith.constant 0 : index
    %get3A_30 = vector.load %arg6[%get3A_28, %get3A_29] : memref<1x1xf32, #tpu.memory_space<vmem>>, vector<1x1xf32>
    %add3A_31 = vector.broadcast %get3A_30 : vector<1x1xf32> to vector<2528x1xf32>
    %add3A_32 = arith.addf %dot_general3A_27, %add3A_31 : vector<2528x1xf32>
    %swap3A = arith.constant 0 : index
    %swap3A_33 = arith.constant 0 : index
    %swap3A_34 = vector.load %arg7[%swap3A, %swap3A_33] : memref<2528x1xf32, #tpu.memory_space<vmem>>, vector<2528x1xf32>
    tpu.vector_store %arg7[%swap3A, %swap3A_33], %add3A_32 {strides = array<i32>} : memref<2528x1xf32, #tpu.memory_space<vmem>>, vector<2528x1xf32>,
    return
  }
  func.func @transform_0(%arg0: i32) -> (i32, i32, i32) {
    %c0_i32 = arith.constant 0 : i32
    %c0_i32_0 = arith.constant 0 : i32
    %c0_i32_1 = arith.constant 0 : i32
    return %c0_i32, %arg0, %c0_i32_0 : i32, i32, i32
  }
  func.func @transform_1(%arg0: i32) -> (i32, i32) {
    %c0_i32 = arith.constant 0 : i32
    %c0_i32_0 = arith.constant 0 : i32
    return %arg0, %c0_i32 : i32, i32
  }
  func.func @transform_2(%arg0: i32) -> (i32, i32) {
    %c0_i32 = arith.constant 0 : i32
    %c0_i32_0 = arith.constant 0 : i32
    return %arg0, %c0_i32 : i32, i32
  }
  func.func @transform_3(%arg0: i32) -> (i32, i32) {
    %c0_i32 = arith.constant 0 : i32
    %c0_i32_0 = arith.constant 0 : i32
    %c0_i32_1 = arith.constant 0 : i32
    return %c0_i32, %c0_i32_0 : i32, i32
  }
  func.func @transform_4(%arg0: i32) -> (i32, i32) {
    %c0_i32 = arith.constant 0 : i32
    %c0_i32_0 = arith.constant 0 : i32
    %c0_i32_1 = arith.constant 0 : i32
    return %c0_i32, %c0_i32_0 : i32, i32
  }
  func.func @transform_5(%arg0: i32) -> (i32, i32) {
    %c0_i32 = arith.constant 0 : i32
    %c0_i32_0 = arith.constant 0 : i32
    %c0_i32_1 = arith.constant 0 : i32
    return %c0_i32, %c0_i32_0 : i32, i32
  }
  func.func @transform_6(%arg0: i32) -> (i32, i32) {
    %c0_i32 = arith.constant 0 : i32
    %c0_i32_0 = arith.constant 0 : i32
    return %arg0, %c0_i32 : i32, i32
  }
}

</mosaic_0001>

<sc_bundles>
// kernel: _run.11.cloned.1.call-start
scs
__scs_entry_jumppad:
0x0: {  	(pc) =	sbr.rel $0x88, $3  }
0x1: {  	(tag) =	ssettag $0x0;
	lr =	simm.s32 $0x1  }
0x2: {  	[smem:$0x3F99] =	sst lr;
	_ =	strace $0xD0000000  }
0x3: {  	_ = 	snop  }
0x4: {  	_ = 	snop  }
0x5: {  	_ = 	snop  }
0x6: {  	_ = 	snop  }
0x7: {  	_ = 	snop  }
__scs_overlays_trampoline_lowered:
0x8: {  	[smem:$0x3FA8] =	sst s0  }
0x9: {  	[smem:$0x3FA9] =	sst s1  }
0xa: {  	[smem:$0x3FAA] =	sst s2  }
0xb: {  	[smem:$0x3FAB] =	sst s3  }
0xc: {  	[smem:$0x3FAC] =	sst s4  }
0xd: {  	[smem:$0x3FAD] =	sst s5  }
0xe: {  	[smem:$0x3FAE] =	sst s6  }
0xf: {  	[smem:$0x3FAF] =	sst s7  }
0x10: {  	[smem:$0x3FB0] =	sst s8  }
0x11: {  	[smem:$0x3FB1] =	sst s9;
	s0 =	simm.s32 @!p0 $0x0  }
0x12: {  	s1 =	sld [smem:$0x3F97];
	s0 =	simm.s32 @p0 $0x1  }
0x13: {  	[smem:$0x3FB2] =	sst s0;
	s0 =	simm.s32 @!p1 $0x0  }
0x14: {  	s2 =	sld [smem:$0x3F96];
	s0 =	simm.s32 @p1 $0x1  }
0x15: {  	[smem:$0x3FB3] =	sst s0;
	s0 =	simm.s32 @!p2 $0x0  }
0x16: {  	s3 =	sld [smem:$0x3FDB];
	s0 =	simm.s32 @p2 $0x1  }
0x17: {  	s4 =	simm.s32 $0x1BF5;
	[smem:$0x3FB5] =	sst s0  }
0x18: {  	s0 =	sld [smem:$0x3F98];
	_ =	swait.ge [sflag:s4], $0x0  }
0x19: {  	s7 =	sld [smem:$0x3F99]  }
0x1a: {  	s8 =	sadd.s32 $0xFFFFE003, lr  }
0x1b: {  	s9 =	sadd.s32 $0xFFFFFEF7, lr;
	s5 =	simm.s32 $0xFFFFFFFF;
	p2 =	slt.u32 s8, $0xFFFFF086  }
0x1c: {  	p1 =	slt.u32 s9, $0xF7A;
	s5 =	simm.s32 @!p2 $0x0  }
0x1d: {  	s5 =	simm.s32 @p1 $0x1;
	p0 =	seq.s32 s7, s2  }
0x1e: {  	s7 =	smul.u32 @!p0 $0xF7A, s2;
	p2 =	seq.s32 @!p0 s5, $0x0  }
0x1f: {  	s9 =	smul.u32 $0xF7A, s1;
	s8 =	simm.s32 @!p0 $0x1BF5;
	p2 =	por !p2, p0  }
0x20: {  	[sflag:s8] =	ssyncset.s32 @!p0 $0xFFFFF086;
	s6 =	sadd.s32 @!p0 s3, s7;
	s7 =	simm.s32 @!p0 $0x108  }
0x21: {  	s3 =	sadd.s32 s3, s9;
	s6 =	sadd.s32 @!p0 $0x88, s6;
	s7 =	simm.s32 @p2 $0x1082  }
0x22: {  	[simem:s7], [sflag:s8] =	dma.local @!p0 [hbm:s6], $0xF7A  }
0x23: {  	s9 =	sor.u32 $0xD0000000, s2;
	s6 =	simm.s32 $0x108;
	_ =	swait.ge @!p0 [sflag:s8], $0x0  }
0x24: {  	s3 =	sadd.s32 $0x88, s3;
	s6 =	simm.s32 @!p1 $0x1082;
	[sflag:s4] =	ssyncset.s32 $0xFFFFF086  }
0x25: {  	[simem:s6], [sflag:s4] =	dma.local [hbm:s3], $0xF7A  }
0x26: {  	[smem:$0x3F99] =	sst s1;
	(tag) =	ssettag s2;
	_ =	strace s9  }
0x27: {  	s1 =	sld [smem:$0x3FA9]  }
0x28: {  	s2 =	sld [smem:$0x3FAA]  }
0x29: {  	s4 =	sld [smem:$0x3FAC]  }
0x2a: {  	p0 =	seq.s32 s5, $0x0;
	s5 =	sld [smem:$0x3FAD]  }
0x2b: {  	s6 =	sld [smem:$0x3FAE]  }
0x2c: {  	s7 =	sld [smem:$0x3FAF]  }
0x2d: {  	s3 =	simm.s32 $0x108;
	s8 =	sld [smem:$0x3FB0]  }
0x2e: {  	s3 =	simm.s32 @!p0 $0x1082;
	s9 =	sld [smem:$0x3FB1]  }
0x2f: {  	lr =	sadd.s32 s0, s3;
	s0 =	sld [smem:$0x3FA8]  }
0x30: {  	s3 =	sld [smem:$0x3FAB]  }
0x31: {  	[smem:$0x3FB4] =	sst s10  }
0x32: {  	s10 =	sld [smem:$0x3FB2];
	_ =	sdelay $0x3  }
0x33: {  	p0 =	seq.s32 s10, $0x1;
	s10 =	sld [smem:$0x3FB4];
	_ =	sdelay $0x3  }
0x34: {  	[smem:$0x3FB4] =	sst s10  }
0x35: {  	s10 =	sld [smem:$0x3FB3];
	_ =	sdelay $0x3  }
0x36: {  	p1 =	seq.s32 s10, $0x1;
	s10 =	sld [smem:$0x3FB4];
	_ =	sdelay $0x3  }
0x37: {  	[smem:$0x3FB4] =	sst s10  }
0x38: {  	s10 =	sld [smem:$0x3FB5]  }
0x39: {  	_ = 	snop;
	(pc) =	sbr.ind lr, $3  }
0x3a: {  	_ = 	snop  }
0x3b: {  	_ = 	snop  }
0x3c: {  	p2 =	seq.s32 s10, $0x1;
	s10 =	sld [smem:$0x3FB4]  }
0x3d: {  	_ =	shalt  }
0x3e: {  	_ =	shalt  }
0x3f: {  	_ =	shalt  }
0x40: {  	_ =	shalt  }
0x41: {  	_ =	shalt  }
0x42: {  	_ =	shalt  }
0x43: {  	_ =	shalt  }
0x44: {  	_ =	shalt  }
0x45: {  	_ =	shalt  }
0x46: {  	_ =	shalt  }
0x47: {  	_ =	shalt  }
0x48: {  	_ =	shalt  }
0x49: {  	_ =	shalt  }
0x4a: {  	_ =	shalt  }
0x4b: {  	_ =	shalt  }
0x4c: {  	_ =	shalt  }
0x4d: {  	_ =	shalt  }
0x4e: {  	_ =	shalt  }
0x4f: {  	_ =	shalt  }
0x50: {  	_ =	shalt  }
0x51: {  	_ =	shalt  }
0x52: {  	_ =	shalt  }
0x53: {  	_ =	shalt  }
0x54: {  	_ =	shalt  }
0x55: {  	_ =	shalt  }
0x56: {  	_ =	shalt  }
0x57: {  	_ =	shalt  }
0x58: {  	_ =	shalt  }
0x59: {  	_ =	shalt  }
0x5a: {  	_ =	shalt  }
0x5b: {  	_ =	shalt  }
0x5c: {  	_ =	shalt  }
0x5d: {  	_ =	shalt  }
0x5e: {  	_ =	shalt  }
0x5f: {  	_ =	shalt  }
0x60: {  	_ =	shalt  }
0x61: {  	_ =	shalt  }
0x62: {  	_ =	shalt  }
0x63: {  	_ =	shalt  }
0x64: {  	_ =	shalt  }
0x65: {  	_ =	shalt  }
0x66: {  	_ =	shalt  }
0x67: {  	_ =	shalt  }
0x68: {  	_ =	shalt  }
0x69: {  	_ =	shalt  }
0x6a: {  	_ =	shalt  }
0x6b: {  	_ =	shalt  }
0x6c: {  	_ =	shalt  }
0x6d: {  	_ =	shalt  }
0x6e: {  	_ =	shalt  }
0x6f: {  	_ =	shalt  }
0x70: {  	_ =	shalt  }
0x71: {  	_ =	shalt  }
0x72: {  	_ =	shalt  }
0x73: {  	_ =	shalt  }
0x74: {  	_ =	shalt  }
0x75: {  	_ =	shalt  }
0x76: {  	_ =	shalt  }
0x77: {  	_ =	shalt  }
0x78: {  	_ =	shalt  }
0x79: {  	_ =	shalt  }
0x7a: {  	_ =	shalt  }
0x7b: {  	_ =	shalt  }
0x7c: {  	_ =	shalt  }
0x7d: {  	_ =	shalt  }
0x7e: {  	_ =	shalt  }
0x7f: {  	_ =	shalt  }
0x80: {  	_ =	shalt  }
0x81: {  	_ =	shalt  }
0x82: {  	_ =	shalt  }
0x83: {  	_ =	shalt  }
0x84: {  	_ =	shalt  }
0x85: {  	_ =	shalt  }
0x86: {  	_ =	shalt  }
0x87: {  	_ =	shalt  }
.Lfunc_end0:
.L_simem_size_0:
called_computation.1_lowered:
.L_overlay_start_0:
0x88: {  	s2 =	sld [smem:$0x3FD9]  }
0x89: {  	s3 =	sld [smem:$0x3FFE];
	_ =	sdelay $0x1  }
0x8a: {  	s1 =	srdreg.scid  }
0x8b: {  	s0 =	sand.u32 $0x1, s1  }
0x8c: {  	s16 =	sshll.u32 s0, $0xA;
	s2 =	sadd.s32 s3, s2  }
0x8d: {  	s2 =	sadd.s32 s2, s16  }
0x8e: {  	[smem:$0x3FC0] =	sst s2  }
0x8f: {  	_ = 	snop  }
0x90: {  	(tm) =	ssettm $0x1  }
0x91: {  	s17 =	sld [smem:$0x3FFB];
	_ =	sdelay $0x3  }
0x92: {  	_ =	strace s17  }
0x93: {  	s2 =	sld [smem:$0x3FFC];
	_ =	sdelay $0x3  }
0x94: {  	_ =	strace s2  }
0x95: {  	s2 =	sld [smem:$0x3FFD];
	_ =	sdelay $0x3  }
0x96: {  	_ =	strace s2  }
0x97: {  	_ =	strace $0x8FFFFFFF  }
0x98: {  	s18 =	sld [smem:$0x3FDB];
	_ =	sdelay $0x1  }
0x99: {  	s19 =	simm.s32 $_scs_section_size  }
0x9a: {  	s4 =	simm.s32 $_size__tile_overlayer_lowered;
	s5 =	simm.s32 $_tile_overlayer_lowered  }
0x9b: {  	s22 =	simm.s32 $0x1BFF;
	s21 =	sshll.u32 s5, $0x1;
	s2 =	sadd.s32 s19, s18  }
0x9c: {  	s6 =	simm.s32 $0x0;
	s20 =	sshll.u32 s4, $0x1;
	s4 =	sadd.s32 s21, s2  }
0x9d: {  	[timem:s6], [sflag:s22] =	dma.local [hbm:s4], s20  }
0x9e: {  	_ =	swait.ge [sflag:s22], s20  }
0x9f: {  	s3 =	ssub.s32 $0x0, s20;
	[sflag:s22] =	ssyncset.done $0x0  }
0xa0: {  	[sflag:s22] =	ssyncadd.s32 s3;
	_ =	sdelay $0x1  }
0xa1: {  	s23 =	simm.s32 $0x1B8B  }
0xa2: {  	_ =	swait.ge [sflag:s23], $0x1  }
0xa3: {  	[sflag:s23] =	ssyncset.done $0x0  }
0xa4: {  	s25 =	simm.s32 $0x1B8E;
	s24 =	sld [smem:$0x3FFE];
	[sflag:s23] =	ssyncadd.s32 $0xFFFFFFFF  }
0xa5: {  	s26 =	simm.s32 $execute0_lowered;
	[smem:$0x3FD2] =	sst s25  }
0xa6: {  	s4 =	sshll.u32 s26, $0x1;
	_ =	strace $0x80000049;
	[dreg:$0x1] =	wrdreg $0xFFFFFFFF  }
0xa7: {  	s28 =	simm.s32 $_size_execute0_lowered;
	s2 =	sadd.s32 s2, s4;
	[dreg:$0x0] =	wrdreg $0x0  }
0xa8: {  	s4 =	sshll.u32 s28, $0x1;
	[dreg:$0x2] =	wrdreg s2  }
0xa9: {  	[dreg:$0x3] =	wrdreg s4  }
0xaa: {  	[dreg:$0x4] =	wrdreg $0xC0  }
0xab: {  	_ =	task [dreg:s6], $0x5FFFF  }
0xac: {  	[dreg:$0x1] =	wrdreg $0xFFFFFFFF  }
0xad: {  	[dreg:$0x0] =	wrdreg $0x60  }
0xae: {  	[dreg:$0x2] =	wrdreg s24  }
0xaf: {  	[dreg:$0x3] =	wrdreg $0x148200  }
0xb0: {  	[dreg:$0x4] =	wrdreg $0x9  }
0xb1: {  	_ =	task.clear_ibuf [dreg:s6], $0x5FFFF;
	_ =	strace $0x90000049  }
0xb2: {  	s29 =	simm.s32 $0x9;
	_ =	strace $0x8000004B  }
0xb3: {  	_ =	swait.ge [sflag:s29], $0x1  }
0xb4: {  	[sflag:s29] =	ssyncadd.s32 $0xFFFFFFFF  }
0xb5: {  	_ =	strace $0x9000004B  }
0xb6: {  	_ =	sfence  }
0xb7: {  	s30 =	sld [smem:$0x0];
	_ =	sdelay $0x2  }
0xb8: {  	s31 =	sshll.u32 s1, $0xD;
	s1 =	sshrl.u32 s1, $0x2  }
0xb9: {  	s3 =	sand.u32 $0x4000, s31;
	s1 =	sadd.s32 s1, s30  }
0xba: {  	s0 =	sor.u32 s3, s0;
	s1 =	sshll.u32 s1, $0x11  }
0xbb: {  	s0 =	sor.u32 s1, s0  }
0xbc: {  	s0 =	sadd.s32 $0x8F2B, s0  }
0xbd: {  	[sflag:s0] =	ssyncadd.remote.s32 $0x1  }
0xbe: {  	_ =	sfence.sel $0xFFFF  }
0xbf: {  	[dreg:$0x0] =	wrdreg $0xFFFFFFFF;
	(pc) =	sbr.abs _section_cstart, $3  }
0xc0: {  	[dreg:$0x1] =	wrdreg $0xFFFFFFFF  }
0xc1: {  	_ =	task.clear_ibuf [dreg:s6], $0x2FFFF;
	_ =	strace $0x9FFFFFFF  }
0xc2: {  	(tm) =	ssettm $0x7FFFFFFF  }
0xc3: {  	_ =	shalt  }
tec
execute0_lowered:
.L_overlay_start_1:
0x0: {  	(tag) =	ssettag $0x1  }
0x1: {  	s1 =	srdreg.scid;
	s0 =	stileid.u32  }
0x2: {  	s9 =	rddreg [dreg:$0x0];
	s31 =	sand.u32 $0x1, s1;
	s24 =	sshll.u32 s0, $0x1  }
0x3: {  	s2 =	rddreg [dreg:$0x1];
	s3 =	simm.s32 $0x0;
	s1 =	sor.u32 s31, s24  }
0x4: {  	[smem:$0x7FF] =	sst s3;
	s25 =	sadd.s32 $0x29000, s9;
	s4 =	smul.u32 $0x4E2, s1  }
0x5: {  	_ =	strace $0x8000004A;
	[dreg:$0x3] =	wrdreg s25;
	s1 =	smul.u32 $0x9E00, s0  }
0x6: {  	s26 =	sshll.u32 s0, $0x6;
	s8 =	rddreg [dreg:$0x3];
	s7 =	sadd.s32 s4, s9  }
0x7: {  	s5 =	sadd.s32 s1, s2;
	s4 =	sor.u32 $0x1C02, s26;
	s6 =	sadd.s32 $0x1800, s7  }
0x8: {  	[dreg:$0x4] =	wrdreg s6;
	s6 =	sshrl.u32 s5, $0x3;
	s5 =	simm.s32 $0x2  }
0x9: {  	[spmem:s6], [sflag:s4] =	dma.local [hbm:s8], $0x13C0  }
0xa: {  	_ =	swait.ge [sflag:s5], $0x13C0  }
0xb: {  	[sflag:s5] =	ssyncset.done $0x0  }
0xc: {  	s0 =	rddreg [dreg:$0x4];
	[sflag:s5] =	ssyncadd.s32 $0xFFFFEC40  }
0xd: {  	[tilespmem:s3], [sflag:$0x2] =	stream.linear.gather [hbm4b:s0+s3], $0x2710, $0x38;
	[tilespmem:$0x1E620] =	vst v63  }
0xe: {  	_ =	swait.ge [sflag:s5], $0x2710  }
0xf: {  	[sflag:s5] =	ssyncset.done $0x0  }
0x10: {  	s7 =	sadd.s32 $0xB600, s7;
	s8 =	simm.s32 $0x2710;
	[sflag:s5] =	ssyncadd.s32 $0xFFFFD8F0  }
0x11: {  	[tilespmem:s8], [sflag:$0x2] =	stream.linear.gather [hbm4b:s7+s3], $0x2710, $0x38;
	[tilespmem:$0x1E620] =	vst v63  }
0x12: {  	_ =	swait.ge [sflag:s5], $0x2710  }
0x13: {  	[sflag:s5] =	ssyncset.done $0x0  }
0x14: {  	s10 =	simm.s32 $0x3E8;
	s11 =	simm.s32 $0x4E20;
	[sflag:s5] =	ssyncadd.s32 $0xFFFFD8F0  }
0x15: {  	s12 =	simm.s32 $0x1;
	s9 =	sadd.s32 $0x15400, s9;
	[bflag:$0x0] =	sbarrier.arrive $0xFFFF  }
0x16: {  	[tilespmem:s11], [sflag:$0x1] =	stream.indirect.gather [hbm4b:s9+s10], $0x40, s3, s10, $0xb8;
	[tilespmem:$0x1E620] =	vst v63  }
0x17: {  	_ =	swait.ge [sflag:s12], $0xFA00  }
0x18: {  	[sflag:s12] =	ssyncset.done $0x0  }
0x19: {  	[sflag:s12] =	ssyncadd.s32 $0xFFFF0600  }
0x1a: {  	[spmem:s2] =	stream.indirect.scatter.add.f32 [tilespmem:s11], [sflag:$0x2], $0x40, s8, s10, $0xb8;
	[tilespmem:$0x1E620] =	vst v63  }
0x1b: {  	_ =	swait.ge [sflag:s5], $0xFA00  }
0x1c: {  	[sflag:s5] =	ssyncset.done $0x0  }
0x1d: {  	[sflag:s5] =	ssyncadd.s32 $0xFFFF0600  }
0x1e: {  	[tilespmem:s11], [sflag:$0x1] =	stream.indirect.gather [hbm4b:s9+s10], $0x40, s10, s10, $0xb8;
	[tilespmem:$0x1E620] =	vst v63  }
0x1f: {  	_ =	swait.ge [sflag:s12], $0xFA00  }
0x20: {  	[sflag:s12] =	ssyncset.done $0x0  }
0x21: {  	s13 =	simm.s32 $0x2AF8;
	[sflag:s12] =	ssyncadd.s32 $0xFFFF0600  }
0x22: {  	[spmem:s2] =	stream.indirect.scatter.add.f32 [tilespmem:s11], [sflag:$0x2], $0x40, s13, s10, $0xb8;
	[tilespmem:$0x1E620] =	vst v63  }
0x23: {  	_ =	swait.ge [sflag:s5], $0xFA00  }
0x24: {  	[sflag:s5] =	ssyncset.done $0x0  }
0x25: {  	s14 =	simm.s32 $0x7D0;
	[sflag:s5] =	ssyncadd.s32 $0xFFFF0600  }
0x26: {  	[tilespmem:s11], [sflag:$0x1] =	stream.indirect.gather [hbm4b:s9+s10], $0x40, s14, s10, $0xb8;
	[tilespmem:$0x1E620] =	vst v63  }
0x27: {  	_ =	swait.ge [sflag:s12], $0xFA00  }
0x28: {  	[sflag:s12] =	ssyncset.done $0x0  }
0x29: {  	s15 =	simm.s32 $0x2EE0;
	[sflag:s12] =	ssyncadd.s32 $0xFFFF0600  }
0x2a: {  	[spmem:s2] =	stream.indirect.scatter.add.f32 [tilespmem:s11], [sflag:$0x2], $0x40, s15, s10, $0xb8;
	[tilespmem:$0x1E620] =	vst v63  }
0x2b: {  	_ =	swait.ge [sflag:s5], $0xFA00  }
0x2c: {  	[sflag:s5] =	ssyncset.done $0x0  }
0x2d: {  	s16 =	simm.s32 $0xBB8;
	[sflag:s5] =	ssyncadd.s32 $0xFFFF0600  }
0x2e: {  	[tilespmem:s11], [sflag:$0x1] =	stream.indirect.gather [hbm4b:s9+s10], $0x40, s16, s10, $0xb8;
	[tilespmem:$0x1E620] =	vst v63  }
0x2f: {  	_ =	swait.ge [sflag:s12], $0xFA00  }
0x30: {  	[sflag:s12] =	ssyncset.done $0x0  }
0x31: {  	s17 =	simm.s32 $0x32C8;
	[sflag:s12] =	ssyncadd.s32 $0xFFFF0600  }
0x32: {  	[spmem:s2] =	stream.indirect.scatter.add.f32 [tilespmem:s11], [sflag:$0x2], $0x40, s17, s10, $0xb8;
	[tilespmem:$0x1E620] =	vst v63  }
0x33: {  	_ =	swait.ge [sflag:s5], $0xFA00  }
0x34: {  	[sflag:s5] =	ssyncset.done $0x0  }
0x35: {  	s18 =	simm.s32 $0xFA0;
	[sflag:s5] =	ssyncadd.s32 $0xFFFF0600  }
0x36: {  	[tilespmem:s11], [sflag:$0x1] =	stream.indirect.gather [hbm4b:s9+s10], $0x40, s18, s10, $0xb8;
	[tilespmem:$0x1E620] =	vst v63  }
0x37: {  	_ =	swait.ge [sflag:s12], $0xFA00  }
0x38: {  	[sflag:s12] =	ssyncset.done $0x0  }
0x39: {  	s19 =	simm.s32 $0x36B0;
	[sflag:s12] =	ssyncadd.s32 $0xFFFF0600  }
0x3a: {  	[spmem:s2] =	stream.indirect.scatter.add.f32 [tilespmem:s11], [sflag:$0x2], $0x40, s19, s10, $0xb8;
	[tilespmem:$0x1E620] =	vst v63  }
0x3b: {  	_ =	swait.ge [sflag:s5], $0xFA00  }
0x3c: {  	[sflag:s5] =	ssyncset.done $0x0  }
0x3d: {  	s20 =	simm.s32 $0x1388;
	[sflag:s5] =	ssyncadd.s32 $0xFFFF0600  }
0x3e: {  	[tilespmem:s11], [sflag:$0x1] =	stream.indirect.gather [hbm4b:s9+s10], $0x40, s20, s10, $0xb8;
	[tilespmem:$0x1E620] =	vst v63  }
0x3f: {  	_ =	swait.ge [sflag:s12], $0xFA00  }
0x40: {  	[sflag:s12] =	ssyncset.done $0x0  }
0x41: {  	s21 =	simm.s32 $0x3A98;
	[sflag:s12] =	ssyncadd.s32 $0xFFFF0600  }
0x42: {  	[spmem:s2] =	stream.indirect.scatter.add.f32 [tilespmem:s11], [sflag:$0x2], $0x40, s21, s10, $0xb8;
	[tilespmem:$0x1E620] =	vst v63  }
0x43: {  	_ =	swait.ge [sflag:s5], $0xFA00  }
0x44: {  	[sflag:s5] =	ssyncset.done $0x0  }
0x45: {  	s22 =	simm.s32 $0x1770;
	[sflag:s5] =	ssyncadd.s32 $0xFFFF0600  }
0x46: {  	[tilespmem:s11], [sflag:$0x1] =	stream.indirect.gather [hbm4b:s9+s10], $0x40, s22, s10, $0xb8;
	[tilespmem:$0x1E620] =	vst v63  }
0x47: {  	_ =	swait.ge [sflag:s12], $0xFA00  }
0x48: {  	[sflag:s12] =	ssyncset.done $0x0  }
0x49: {  	s23 =	simm.s32 $0x3E80;
	[sflag:s12] =	ssyncadd.s32 $0xFFFF0600  }
0x4a: {  	[spmem:s2] =	stream.indirect.scatter.add.f32 [tilespmem:s11], [sflag:$0x2], $0x40, s23, s10, $0xb8;
	[tilespmem:$0x1E620] =	vst v63  }
0x4b: {  	_ =	swait.ge [sflag:s5], $0xFA00  }
0x4c: {  	[sflag:s5] =	ssyncset.done $0x0  }
0x4d: {  	s24 =	simm.s32 $0x1B58;
	[sflag:s5] =	ssyncadd.s32 $0xFFFF0600  }
0x4e: {  	[tilespmem:s11], [sflag:$0x1] =	stream.indirect.gather [hbm4b:s9+s10], $0x40, s24, s10, $0xb8;
	[tilespmem:$0x1E620] =	vst v63  }
0x4f: {  	_ =	swait.ge [sflag:s12], $0xFA00  }
0x50: {  	[sflag:s12] =	ssyncset.done $0x0  }
0x51: {  	s25 =	simm.s32 $0x4268;
	[sflag:s12] =	ssyncadd.s32 $0xFFFF0600  }
0x52: {  	[spmem:s2] =	stream.indirect.scatter.add.f32 [tilespmem:s11], [sflag:$0x2], $0x40, s25, s10, $0xb8;
	[tilespmem:$0x1E620] =	vst v63  }
0x53: {  	_ =	swait.ge [sflag:s5], $0xFA00  }
0x54: {  	[sflag:s5] =	ssyncset.done $0x0  }
0x55: {  	s26 =	simm.s32 $0x1F40;
	[sflag:s5] =	ssyncadd.s32 $0xFFFF0600  }
0x56: {  	[tilespmem:s11], [sflag:$0x1] =	stream.indirect.gather [hbm4b:s9+s10], $0x40, s26, s10, $0xb8;
	[tilespmem:$0x1E620] =	vst v63  }
0x57: {  	_ =	swait.ge [sflag:s12], $0xFA00  }
0x58: {  	[sflag:s12] =	ssyncset.done $0x0  }
0x59: {  	s28 =	simm.s32 $0x4650;
	[sflag:s12] =	ssyncadd.s32 $0xFFFF0600  }
0x5a: {  	[spmem:s2] =	stream.indirect.scatter.add.f32 [tilespmem:s11], [sflag:$0x2], $0x40, s28, s10, $0xb8;
	[tilespmem:$0x1E620] =	vst v63  }
0x5b: {  	_ =	swait.ge [sflag:s5], $0xFA00  }
0x5c: {  	[sflag:s5] =	ssyncset.done $0x0  }
0x5d: {  	s29 =	simm.s32 $0x2328;
	s0 =	smul.u32 $0x9E000, s31;
	[sflag:s5] =	ssyncadd.s32 $0xFFFF0600  }
0x5e: {  	[tilespmem:s11], [sflag:$0x1] =	stream.indirect.gather [hbm4b:s9+s10], $0x40, s29, s10, $0xb8;
	[tilespmem:$0x1E620] =	vst v63  }
0x5f: {  	_ =	swait.ge [sflag:s12], $0xFA00  }
0x60: {  	s30 =	simm.s32 $0x4A38;
	s0 =	sadd.s32 s1, s0;
	[sflag:s12] =	ssyncset.done $0x0  }
0x61: {  	s1 =	ssub.s32 $0x2, s31;
	s0 =	sshrl.u32 s0, $0x3;
	[sflag:s12] =	ssyncadd.s32 $0xFFFF0600  }
0x62: {  	[spmem:s2] =	stream.indirect.scatter.add.f32 [tilespmem:s11], [sflag:$0x2], $0x40, s30, s10, $0xb8;
	[tilespmem:$0x1E620] =	vst v63  }
0x63: {  	_ =	swait.ge [sflag:s5], $0xFA00;
	[dreg:$0x5] =	wrdreg s0;
	s0 =	sshrl.u32 s1, $0x1  }
0x64: {  	[dreg:$0x6] =	wrdreg s0  }
0x65: {  	[sflag:s5] =	ssyncset.done $0x0;
	s31 =	rddreg [dreg:$0x5]  }
0x66: {  	s0 =	rddreg [dreg:$0x0]  }
0x67: {  	s0 =	sadd.s32 s31, s0;
	s31 =	rddreg [dreg:$0x6]  }
0x68: {  	s1 =	ssub.s32 s1, s31  }
0x69: {  	s1 =	smax.u32 s1, $0x1  }
0x6a: {  	p0 =	sne.s32 s1, $0x1  }
.Ltmp0:
0x6b: {  	_ = 	snop;
	(pc) =	sbr.rel @!p0 .LBB2_2-.Ltmp0, $4  }
0x6c: {  	[sflag:s5] =	ssyncadd.s32 $0xFFFF0600  }
0x6d: {  	[bflag:$0x0] =	sbarrier.arrive $0xFFFF;
	s31 =	sadd.s32 $0x2A400, s0  }
0x6e: {  	[hbm:s31], [sflag:s4] =	dma.local [spmem:s6], $0x13C0  }
0x6f: {  	s0 =	sadd.s32 $0xFFFFFFFF, s1;
	_ =	swait.ge [sflag:s5], $0x13C0  }
.LBB2_1:
0x70: {  	[sflag:s5] =	ssyncset.done $0x0  }
0x71: {  	s1 =	rddreg [dreg:$0x3];
	[sflag:s5] =	ssyncadd.s32 $0xFFFFEC40  }
0x72: {  	[spmem:s6], [sflag:s4] =	dma.local [hbm:s1], $0x13C0  }
0x73: {  	_ =	swait.ge [sflag:s5], $0x13C0  }
0x74: {  	[sflag:s5] =	ssyncset.done $0x0  }
0x75: {  	s1 =	rddreg [dreg:$0x4];
	[sflag:s5] =	ssyncadd.s32 $0xFFFFEC40  }
0x76: {  	[tilespmem:s3], [sflag:$0x2] =	stream.linear.gather [hbm4b:s1+s3], $0x2710, $0x38;
	[tilespmem:$0x1E620] =	vst v63  }
0x77: {  	_ =	swait.ge [sflag:s5], $0x2710  }
0x78: {  	[sflag:s5] =	ssyncset.done $0x0  }
0x79: {  	[sflag:s5] =	ssyncadd.s32 $0xFFFFD8F0  }
0x7a: {  	[tilespmem:s8], [sflag:$0x2] =	stream.linear.gather [hbm4b:s7+s3], $0x2710, $0x38;
	[tilespmem:$0x1E620] =	vst v63  }
0x7b: {  	_ =	swait.ge [sflag:s5], $0x2710  }
0x7c: {  	[sflag:s5] =	ssyncset.done $0x0  }
0x7d: {  	[sflag:s5] =	ssyncadd.s32 $0xFFFFD8F0  }
0x7e: {  	[bflag:$0x0] =	sbarrier.arrive $0xFFFF  }
0x7f: {  	[tilespmem:s11], [sflag:$0x1] =	stream.indirect.gather [hbm4b:s9+s10], $0x40, s3, s10, $0xb8;
	[tilespmem:$0x1E620] =	vst v63  }
0x80: {  	_ =	swait.ge [sflag:s12], $0xFA00  }
0x81: {  	[sflag:s12] =	ssyncset.done $0x0  }
0x82: {  	[sflag:s12] =	ssyncadd.s32 $0xFFFF0600  }
0x83: {  	[spmem:s2] =	stream.indirect.scatter.add.f32 [tilespmem:s11], [sflag:$0x2], $0x40, s8, s10, $0xb8;
	[tilespmem:$0x1E620] =	vst v63  }
0x84: {  	_ =	swait.ge [sflag:s5], $0xFA00  }
0x85: {  	[sflag:s5] =	ssyncset.done $0x0  }
0x86: {  	[sflag:s5] =	ssyncadd.s32 $0xFFFF0600  }
0x87: {  	[tilespmem:s11], [sflag:$0x1] =	stream.indirect.gather [hbm4b:s9+s10], $0x40, s10, s10, $0xb8;
	[tilespmem:$0x1E620] =	vst v63  }
0x88: {  	_ =	swait.ge [sflag:s12], $0xFA00  }
0x89: {  	[sflag:s12] =	ssyncset.done $0x0  }
0x8a: {  	[sflag:s12] =	ssyncadd.s32 $0xFFFF0600  }
0x8b: {  	[spmem:s2] =	stream.indirect.scatter.add.f32 [tilespmem:s11], [sflag:$0x2], $0x40, s13, s10, $0xb8;
	[tilespmem:$0x1E620] =	vst v63  }
0x8c: {  	_ =	swait.ge [sflag:s5], $0xFA00  }
0x8d: {  	[sflag:s5] =	ssyncset.done $0x0  }
0x8e: {  	[sflag:s5] =	ssyncadd.s32 $0xFFFF0600  }
0x8f: {  	[tilespmem:s11], [sflag:$0x1] =	stream.indirect.gather [hbm4b:s9+s10], $0x40, s14, s10, $0xb8;
	[tilespmem:$0x1E620] =	vst v63  }
0x90: {  	_ =	swait.ge [sflag:s12], $0xFA00  }
0x91: {  	[sflag:s12] =	ssyncset.done $0x0  }
0x92: {  	[sflag:s12] =	ssyncadd.s32 $0xFFFF0600  }
0x93: {  	[spmem:s2] =	stream.indirect.scatter.add.f32 [tilespmem:s11], [sflag:$0x2], $0x40, s15, s10, $0xb8;
	[tilespmem:$0x1E620] =	vst v63  }
0x94: {  	_ =	swait.ge [sflag:s5], $0xFA00  }
0x95: {  	[sflag:s5] =	ssyncset.done $0x0  }
0x96: {  	[sflag:s5] =	ssyncadd.s32 $0xFFFF0600  }
0x97: {  	[tilespmem:s11], [sflag:$0x1] =	stream.indirect.gather [hbm4b:s9+s10], $0x40, s16, s10, $0xb8;
	[tilespmem:$0x1E620] =	vst v63  }
0x98: {  	_ =	swait.ge [sflag:s12], $0xFA00  }
0x99: {  	[sflag:s12] =	ssyncset.done $0x0  }
0x9a: {  	[sflag:s12] =	ssyncadd.s32 $0xFFFF0600  }
0x9b: {  	[spmem:s2] =	stream.indirect.scatter.add.f32 [tilespmem:s11], [sflag:$0x2], $0x40, s17, s10, $0xb8;
	[tilespmem:$0x1E620] =	vst v63  }
0x9c: {  	_ =	swait.ge [sflag:s5], $0xFA00  }
0x9d: {  	[sflag:s5] =	ssyncset.done $0x0  }
0x9e: {  	[sflag:s5] =	ssyncadd.s32 $0xFFFF0600  }
0x9f: {  	[tilespmem:s11], [sflag:$0x1] =	stream.indirect.gather [hbm4b:s9+s10], $0x40, s18, s10, $0xb8;
	[tilespmem:$0x1E620] =	vst v63  }
0xa0: {  	_ =	swait.ge [sflag:s12], $0xFA00  }
0xa1: {  	[sflag:s12] =	ssyncset.done $0x0  }
0xa2: {  	[sflag:s12] =	ssyncadd.s32 $0xFFFF0600  }
0xa3: {  	[spmem:s2] =	stream.indirect.scatter.add.f32 [tilespmem:s11], [sflag:$0x2], $0x40, s19, s10, $0xb8;
	[tilespmem:$0x1E620] =	vst v63  }
0xa4: {  	_ =	swait.ge [sflag:s5], $0xFA00  }
0xa5: {  	[sflag:s5] =	ssyncset.done $0x0  }
0xa6: {  	[sflag:s5] =	ssyncadd.s32 $0xFFFF0600  }
0xa7: {  	[tilespmem:s11], [sflag:$0x1] =	stream.indirect.gather [hbm4b:s9+s10], $0x40, s20, s10, $0xb8;
	[tilespmem:$0x1E620] =	vst v63  }
0xa8: {  	_ =	swait.ge [sflag:s12], $0xFA00  }
0xa9: {  	[sflag:s12] =	ssyncset.done $0x0  }
0xaa: {  	[sflag:s12] =	ssyncadd.s32 $0xFFFF0600  }
0xab: {  	[spmem:s2] =	stream.indirect.scatter.add.f32 [tilespmem:s11], [sflag:$0x2], $0x40, s21, s10, $0xb8;
	[tilespmem:$0x1E620] =	vst v63  }
0xac: {  	_ =	swait.ge [sflag:s5], $0xFA00  }
0xad: {  	[sflag:s5] =	ssyncset.done $0x0  }
0xae: {  	[sflag:s5] =	ssyncadd.s32 $0xFFFF0600  }
0xaf: {  	[tilespmem:s11], [sflag:$0x1] =	stream.indirect.gather [hbm4b:s9+s10], $0x40, s22, s10, $0xb8;
	[tilespmem:$0x1E620] =	vst v63  }
0xb0: {  	_ =	swait.ge [sflag:s12], $0xFA00  }
0xb1: {  	[sflag:s12] =	ssyncset.done $0x0  }
0xb2: {  	[sflag:s12] =	ssyncadd.s32 $0xFFFF0600  }
0xb3: {  	[spmem:s2] =	stream.indirect.scatter.add.f32 [tilespmem:s11], [sflag:$0x2], $0x40, s23, s10, $0xb8;
	[tilespmem:$0x1E620] =	vst v63  }
0xb4: {  	_ =	swait.ge [sflag:s5], $0xFA00  }
0xb5: {  	[sflag:s5] =	ssyncset.done $0x0  }
0xb6: {  	[sflag:s5] =	ssyncadd.s32 $0xFFFF0600  }
0xb7: {  	[tilespmem:s11], [sflag:$0x1] =	stream.indirect.gather [hbm4b:s9+s10], $0x40, s24, s10, $0xb8;
	[tilespmem:$0x1E620] =	vst v63  }
0xb8: {  	_ =	swait.ge [sflag:s12], $0xFA00  }
0xb9: {  	[sflag:s12] =	ssyncset.done $0x0  }
0xba: {  	[sflag:s12] =	ssyncadd.s32 $0xFFFF0600  }
0xbb: {  	[spmem:s2] =	stream.indirect.scatter.add.f32 [tilespmem:s11], [sflag:$0x2], $0x40, s25, s10, $0xb8;
	[tilespmem:$0x1E620] =	vst v63  }
0xbc: {  	_ =	swait.ge [sflag:s5], $0xFA00  }
0xbd: {  	[sflag:s5] =	ssyncset.done $0x0  }
0xbe: {  	[sflag:s5] =	ssyncadd.s32 $0xFFFF0600  }
0xbf: {  	[tilespmem:s11], [sflag:$0x1] =	stream.indirect.gather [hbm4b:s9+s10], $0x40, s26, s10, $0xb8;
	[tilespmem:$0x1E620] =	vst v63  }
0xc0: {  	_ =	swait.ge [sflag:s12], $0xFA00  }
0xc1: {  	[sflag:s12] =	ssyncset.done $0x0  }
0xc2: {  	[sflag:s12] =	ssyncadd.s32 $0xFFFF0600  }
0xc3: {  	[spmem:s2] =	stream.indirect.scatter.add.f32 [tilespmem:s11], [sflag:$0x2], $0x40, s28, s10, $0xb8;
	[tilespmem:$0x1E620] =	vst v63  }
0xc4: {  	_ =	swait.ge [sflag:s5], $0xFA00  }
0xc5: {  	[sflag:s5] =	ssyncset.done $0x0  }
0xc6: {  	[sflag:s5] =	ssyncadd.s32 $0xFFFF0600  }
0xc7: {  	[tilespmem:s11], [sflag:$0x1] =	stream.indirect.gather [hbm4b:s9+s10], $0x40, s29, s10, $0xb8;
	[tilespmem:$0x1E620] =	vst v63  }
0xc8: {  	_ =	swait.ge [sflag:s12], $0xFA00  }
0xc9: {  	[sflag:s12] =	ssyncset.done $0x0  }
0xca: {  	[sflag:s12] =	ssyncadd.s32 $0xFFFF0600  }
0xcb: {  	[spmem:s2] =	stream.indirect.scatter.add.f32 [tilespmem:s11], [sflag:$0x2], $0x40, s30, s10, $0xb8;
	[tilespmem:$0x1E620] =	vst v63  }
0xcc: {  	p0 =	sne.s32 s0, $0x1;
	_ =	swait.ge [sflag:s5], $0xFA00  }
.Ltmp1:
0xcd: {  	[sflag:s5] =	ssyncset.done $0x0;
	(pc) =	sbr.rel @p0 .LBB2_1-.Ltmp1, $4  }
0xce: {  	[sflag:s5] =	ssyncadd.s32 $0xFFFF0600  }
0xcf: {  	[bflag:$0x0] =	sbarrier.arrive $0xFFFF  }
0xd0: {  	[hbm:s31], [sflag:s4] =	dma.local [spmem:s6], $0x13C0  }
0xd1: {  	s0 =	sadd.s32 $0xFFFFFFFF, s0;
	_ =	swait.ge [sflag:s5], $0x13C0  }
.LBB2_2:
0xd2: {  	[sflag:s5] =	ssyncset.done $0x0  }
0xd3: {  	[sflag:s5] =	ssyncadd.s32 $0xFFFFEC40  }
0xd4: {  	_ =	sfence.sel $0x180000  }
0xd5: {  	[bflag:$0x0] =	sbarrier.arrive $0xFFFF  }
0xd6: {  	_ =	strace $0x9000004A  }
0xd7: {  	s0 =	stileid.u32;
	[bflag:$0x2] =	sbarrier.arrive $0xFFFF  }
0xd8: {  	p0 =	sne.s32 s0, $0x0;
	s0 =	rddreg [dreg:$0x2]  }
0xd9: {  	s0 =	sadd.s32 @!p0 $0x100000, s0  }
0xda: {  	[sflag:s0] =	ssyncadd.tile.s32 @!p0 $0x1;
	_ =	shalt  }
.Lfunc_end2:
_tile_overlayer_lowered:
.L_overlay_start_2:
0xdb: {  	(tag) =	ssettag $0x2  }
0xdc: {  	s0 =	rddreg [dreg:$0x0];
	s2 =	stileid.u32  }
0xdd: {  	s1 =	rddreg [dreg:$0x1];
	p0 =	sne.s32 s2, $0x0  }
0xde: {  	s3 =	rddreg [dreg:$0x2];
	[bflag:$0x3] =	sbarrier.arrive $0xFFFF;
	s2 =	simm.s32 @!p0 $0x1C02  }
0xdf: {  	[timem:s3], [sflag:s2] =	dma.local @!p0 [hbm:s0], s1  }
0xe0: {  	s0 =	simm.s32 @!p0 $0x2  }
0xe1: {  	_ =	swait.ge @!p0 [sflag:s0], s1  }
0xe2: {  	s1 =	ssub.s32 @!p0 $0x0, s1;
	[sflag:s0] =	ssyncset.done @!p0 $0x0  }
0xe3: {  	[sflag:s0] =	ssyncadd.s32 @!p0 s1  }
0xe4: {  	[bflag:$0x3] =	sbarrier.arrive $0xFFFF  }
0xe5: {  	_ =	shalt  }

// kernel: _run.14.cloned.1.call-start
scs
__scs_entry_jumppad:
0x0: {  	(pc) =	sbr.rel $0x88, $3  }
0x1: {  	(tag) =	ssettag $0x0;
	lr =	simm.s32 $0x1  }
0x2: {  	[smem:$0x3F99] =	sst lr;
	_ =	strace $0xD0000000  }
0x3: {  	_ = 	snop  }
0x4: {  	_ = 	snop  }
0x5: {  	_ = 	snop  }
0x6: {  	_ = 	snop  }
0x7: {  	_ = 	snop  }
__scs_overlays_trampoline_lowered:
0x8: {  	[smem:$0x3FA8] =	sst s0  }
0x9: {  	[smem:$0x3FA9] =	sst s1  }
0xa: {  	[smem:$0x3FAA] =	sst s2  }
0xb: {  	[smem:$0x3FAB] =	sst s3  }
0xc: {  	[smem:$0x3FAC] =	sst s4  }
0xd: {  	[smem:$0x3FAD] =	sst s5  }
0xe: {  	[smem:$0x3FAE] =	sst s6  }
0xf: {  	[smem:$0x3FAF] =	sst s7  }
0x10: {  	[smem:$0x3FB0] =	sst s8  }
0x11: {  	[smem:$0x3FB1] =	sst s9;
	s0 =	simm.s32 @!p0 $0x0  }
0x12: {  	s1 =	sld [smem:$0x3F97];
	s0 =	simm.s32 @p0 $0x1  }
0x13: {  	[smem:$0x3FB2] =	sst s0;
	s0 =	simm.s32 @!p1 $0x0  }
0x14: {  	s2 =	sld [smem:$0x3F96];
	s0 =	simm.s32 @p1 $0x1  }
0x15: {  	[smem:$0x3FB3] =	sst s0;
	s0 =	simm.s32 @!p2 $0x0  }
0x16: {  	s3 =	sld [smem:$0x3FDB];
	s0 =	simm.s32 @p2 $0x1  }
0x17: {  	s4 =	simm.s32 $0x1BF5;
	[smem:$0x3FB5] =	sst s0  }
0x18: {  	s0 =	sld [smem:$0x3F98];
	_ =	swait.ge [sflag:s4], $0x0  }
0x19: {  	s7 =	sld [smem:$0x3F99]  }
0x1a: {  	s8 =	sadd.s32 $0xFFFFE003, lr  }
0x1b: {  	s9 =	sadd.s32 $0xFFFFFEF7, lr;
	s5 =	simm.s32 $0xFFFFFFFF;
	p2 =	slt.u32 s8, $0xFFFFF086  }
0x1c: {  	p1 =	slt.u32 s9, $0xF7A;
	s5 =	simm.s32 @!p2 $0x0  }
0x1d: {  	s5 =	simm.s32 @p1 $0x1;
	p0 =	seq.s32 s7, s2  }
0x1e: {  	s7 =	smul.u32 @!p0 $0xF7A, s2;
	p2 =	seq.s32 @!p0 s5, $0x0  }
0x1f: {  	s9 =	smul.u32 $0xF7A, s1;
	s8 =	simm.s32 @!p0 $0x1BF5;
	p2 =	por !p2, p0  }
0x20: {  	[sflag:s8] =	ssyncset.s32 @!p0 $0xFFFFF086;
	s6 =	sadd.s32 @!p0 s3, s7;
	s7 =	simm.s32 @!p0 $0x108  }
0x21: {  	s3 =	sadd.s32 s3, s9;
	s6 =	sadd.s32 @!p0 $0x88, s6;
	s7 =	simm.s32 @p2 $0x1082  }
0x22: {  	[simem:s7], [sflag:s8] =	dma.local @!p0 [hbm:s6], $0xF7A  }
0x23: {  	s9 =	sor.u32 $0xD0000000, s2;
	s6 =	simm.s32 $0x108;
	_ =	swait.ge @!p0 [sflag:s8], $0x0  }
0x24: {  	s3 =	sadd.s32 $0x88, s3;
	s6 =	simm.s32 @!p1 $0x1082;
	[sflag:s4] =	ssyncset.s32 $0xFFFFF086  }
0x25: {  	[simem:s6], [sflag:s4] =	dma.local [hbm:s3], $0xF7A  }
0x26: {  	[smem:$0x3F99] =	sst s1;
	(tag) =	ssettag s2;
	_ =	strace s9  }
0x27: {  	s1 =	sld [smem:$0x3FA9]  }
0x28: {  	s2 =	sld [smem:$0x3FAA]  }
0x29: {  	s4 =	sld [smem:$0x3FAC]  }
0x2a: {  	p0 =	seq.s32 s5, $0x0;
	s5 =	sld [smem:$0x3FAD]  }
0x2b: {  	s6 =	sld [smem:$0x3FAE]  }
0x2c: {  	s7 =	sld [smem:$0x3FAF]  }
0x2d: {  	s3 =	simm.s32 $0x108;
	s8 =	sld [smem:$0x3FB0]  }
0x2e: {  	s3 =	simm.s32 @!p0 $0x1082;
	s9 =	sld [smem:$0x3FB1]  }
0x2f: {  	lr =	sadd.s32 s0, s3;
	s0 =	sld [smem:$0x3FA8]  }
0x30: {  	s3 =	sld [smem:$0x3FAB]  }
0x31: {  	[smem:$0x3FB4] =	sst s10  }
0x32: {  	s10 =	sld [smem:$0x3FB2];
	_ =	sdelay $0x3  }
0x33: {  	p0 =	seq.s32 s10, $0x1;
	s10 =	sld [smem:$0x3FB4];
	_ =	sdelay $0x3  }
0x34: {  	[smem:$0x3FB4] =	sst s10  }
0x35: {  	s10 =	sld [smem:$0x3FB3];
	_ =	sdelay $0x3  }
0x36: {  	p1 =	seq.s32 s10, $0x1;
	s10 =	sld [smem:$0x3FB4];
	_ =	sdelay $0x3  }
0x37: {  	[smem:$0x3FB4] =	sst s10  }
0x38: {  	s10 =	sld [smem:$0x3FB5]  }
0x39: {  	_ = 	snop;
	(pc) =	sbr.ind lr, $3  }
0x3a: {  	_ = 	snop  }
0x3b: {  	_ = 	snop  }
0x3c: {  	p2 =	seq.s32 s10, $0x1;
	s10 =	sld [smem:$0x3FB4]  }
0x3d: {  	_ =	shalt  }
0x3e: {  	_ =	shalt  }
0x3f: {  	_ =	shalt  }
0x40: {  	_ =	shalt  }
0x41: {  	_ =	shalt  }
0x42: {  	_ =	shalt  }
0x43: {  	_ =	shalt  }
0x44: {  	_ =	shalt  }
0x45: {  	_ =	shalt  }
0x46: {  	_ =	shalt  }
0x47: {  	_ =	shalt  }
0x48: {  	_ =	shalt  }
0x49: {  	_ =	shalt  }
0x4a: {  	_ =	shalt  }
0x4b: {  	_ =	shalt  }
0x4c: {  	_ =	shalt  }
0x4d: {  	_ =	shalt  }
0x4e: {  	_ =	shalt  }
0x4f: {  	_ =	shalt  }
0x50: {  	_ =	shalt  }
0x51: {  	_ =	shalt  }
0x52: {  	_ =	shalt  }
0x53: {  	_ =	shalt  }
0x54: {  	_ =	shalt  }
0x55: {  	_ =	shalt  }
0x56: {  	_ =	shalt  }
0x57: {  	_ =	shalt  }
0x58: {  	_ =	shalt  }
0x59: {  	_ =	shalt  }
0x5a: {  	_ =	shalt  }
0x5b: {  	_ =	shalt  }
0x5c: {  	_ =	shalt  }
0x5d: {  	_ =	shalt  }
0x5e: {  	_ =	shalt  }
0x5f: {  	_ =	shalt  }
0x60: {  	_ =	shalt  }
0x61: {  	_ =	shalt  }
0x62: {  	_ =	shalt  }
0x63: {  	_ =	shalt  }
0x64: {  	_ =	shalt  }
0x65: {  	_ =	shalt  }
0x66: {  	_ =	shalt  }
0x67: {  	_ =	shalt  }
0x68: {  	_ =	shalt  }
0x69: {  	_ =	shalt  }
0x6a: {  	_ =	shalt  }
0x6b: {  	_ =	shalt  }
0x6c: {  	_ =	shalt  }
0x6d: {  	_ =	shalt  }
0x6e: {  	_ =	shalt  }
0x6f: {  	_ =	shalt  }
0x70: {  	_ =	shalt  }
0x71: {  	_ =	shalt  }
0x72: {  	_ =	shalt  }
0x73: {  	_ =	shalt  }
0x74: {  	_ =	shalt  }
0x75: {  	_ =	shalt  }
0x76: {  	_ =	shalt  }
0x77: {  	_ =	shalt  }
0x78: {  	_ =	shalt  }
0x79: {  	_ =	shalt  }
0x7a: {  	_ =	shalt  }
0x7b: {  	_ =	shalt  }
0x7c: {  	_ =	shalt  }
0x7d: {  	_ =	shalt  }
0x7e: {  	_ =	shalt  }
0x7f: {  	_ =	shalt  }
0x80: {  	_ =	shalt  }
0x81: {  	_ =	shalt  }
0x82: {  	_ =	shalt  }
0x83: {  	_ =	shalt  }
0x84: {  	_ =	shalt  }
0x85: {  	_ =	shalt  }
0x86: {  	_ =	shalt  }
0x87: {  	_ =	shalt  }
.Lfunc_end0:
.L_simem_size_0:
called_computation.2_lowered:
.L_overlay_start_0:
0x88: {  	s2 =	sld [smem:$0x3FD9]  }
0x89: {  	s3 =	sld [smem:$0x3FFE];
	_ =	sdelay $0x1  }
0x8a: {  	s1 =	srdreg.scid  }
0x8b: {  	s0 =	sand.u32 $0x1, s1  }
0x8c: {  	s16 =	sshll.u32 s0, $0xA;
	s2 =	sadd.s32 s3, s2  }
0x8d: {  	s2 =	sadd.s32 s2, s16  }
0x8e: {  	[smem:$0x3FC0] =	sst s2  }
0x8f: {  	_ = 	snop  }
0x90: {  	(tm) =	ssettm $0x1  }
0x91: {  	s17 =	sld [smem:$0x3FFB];
	_ =	sdelay $0x3  }
0x92: {  	_ =	strace s17  }
0x93: {  	s2 =	sld [smem:$0x3FFC];
	_ =	sdelay $0x3  }
0x94: {  	_ =	strace s2  }
0x95: {  	s2 =	sld [smem:$0x3FFD];
	_ =	sdelay $0x3  }
0x96: {  	_ =	strace s2  }
0x97: {  	_ =	strace $0x8FFFFFFF  }
0x98: {  	s18 =	sld [smem:$0x3FDB];
	_ =	sdelay $0x1  }
0x99: {  	s19 =	simm.s32 $_scs_section_size  }
0x9a: {  	s4 =	simm.s32 $_size__tile_overlayer_lowered;
	s5 =	simm.s32 $_tile_overlayer_lowered  }
0x9b: {  	s22 =	simm.s32 $0x1BFF;
	s21 =	sshll.u32 s5, $0x1;
	s2 =	sadd.s32 s19, s18  }
0x9c: {  	s6 =	simm.s32 $0x0;
	s20 =	sshll.u32 s4, $0x1;
	s4 =	sadd.s32 s21, s2  }
0x9d: {  	[timem:s6], [sflag:s22] =	dma.local [hbm:s4], s20  }
0x9e: {  	_ =	swait.ge [sflag:s22], s20  }
0x9f: {  	s3 =	ssub.s32 $0x0, s20;
	[sflag:s22] =	ssyncset.done $0x0  }
0xa0: {  	[sflag:s22] =	ssyncadd.s32 s3;
	_ =	sdelay $0x1  }
0xa1: {  	s23 =	simm.s32 $0x1B8B  }
0xa2: {  	_ =	swait.ge [sflag:s23], $0x1  }
0xa3: {  	[sflag:s23] =	ssyncset.done $0x0  }
0xa4: {  	s25 =	simm.s32 $0x1B8E;
	s24 =	sld [smem:$0x3FFE];
	[sflag:s23] =	ssyncadd.s32 $0xFFFFFFFF  }
0xa5: {  	s26 =	simm.s32 $execute0_lowered;
	[smem:$0x3FD2] =	sst s25  }
0xa6: {  	s4 =	sshll.u32 s26, $0x1;
	_ =	strace $0x8000004C;
	[dreg:$0x1] =	wrdreg $0xFFFFFFFF  }
0xa7: {  	s28 =	simm.s32 $_size_execute0_lowered;
	s2 =	sadd.s32 s2, s4;
	[dreg:$0x0] =	wrdreg $0x0  }
0xa8: {  	s4 =	sshll.u32 s28, $0x1;
	[dreg:$0x2] =	wrdreg s2  }
0xa9: {  	[dreg:$0x3] =	wrdreg s4  }
0xaa: {  	[dreg:$0x4] =	wrdreg $0xC0  }
0xab: {  	_ =	task [dreg:s6], $0x5FFFF  }
0xac: {  	[dreg:$0x1] =	wrdreg $0xFFFFFFFF  }
0xad: {  	[dreg:$0x0] =	wrdreg $0x60  }
0xae: {  	[dreg:$0x2] =	wrdreg s24  }
0xaf: {  	[dreg:$0x3] =	wrdreg $0xCB200  }
0xb0: {  	[dreg:$0x4] =	wrdreg $0x11A200  }
0xb1: {  	[dreg:$0x5] =	wrdreg $0x9  }
0xb2: {  	_ =	task.clear_ibuf [dreg:s6], $0x6FFFF;
	_ =	strace $0x9000004C  }
0xb3: {  	s29 =	simm.s32 $0x9;
	_ =	strace $0x8000004E  }
0xb4: {  	_ =	swait.ge [sflag:s29], $0x1  }
0xb5: {  	[sflag:s29] =	ssyncadd.s32 $0xFFFFFFFF  }
0xb6: {  	_ =	strace $0x9000004E  }
0xb7: {  	_ =	sfence  }
0xb8: {  	s30 =	sld [smem:$0x0];
	_ =	sdelay $0x2  }
0xb9: {  	s31 =	sshll.u32 s1, $0xD;
	s1 =	sshrl.u32 s1, $0x2  }
0xba: {  	s3 =	sand.u32 $0x4000, s31;
	s1 =	sadd.s32 s1, s30  }
0xbb: {  	s0 =	sor.u32 s3, s0;
	s1 =	sshll.u32 s1, $0x11  }
0xbc: {  	s0 =	sor.u32 s1, s0  }
0xbd: {  	s0 =	sadd.s32 $0x8F2B, s0  }
0xbe: {  	[sflag:s0] =	ssyncadd.remote.s32 $0x1  }
0xbf: {  	_ =	sfence.sel $0xFFFF  }
0xc0: {  	[dreg:$0x0] =	wrdreg $0xFFFFFFFF;
	(pc) =	sbr.abs _section_cstart, $3  }
0xc1: {  	[dreg:$0x1] =	wrdreg $0xFFFFFFFF  }
0xc2: {  	_ =	task.clear_ibuf [dreg:s6], $0x2FFFF;
	_ =	strace $0x9FFFFFFF  }
0xc3: {  	(tm) =	ssettm $0x7FFFFFFF  }
tec
execute0_lowered:
.L_overlay_start_1:
0x0: {  	(tag) =	ssettag $0x1  }
0x1: {  	s8 =	rddreg [dreg:$0x0]  }
0x2: {  	s2 =	rddreg [dreg:$0x1]  }
0x3: {  	s3 =	rddreg [dreg:$0x2]  }
0x4: {  	s0 =	stileid.u32;
	s4 =	simm.s32 $0x0;
	s1 =	srdreg.scid  }
0x5: {  	s31 =	smul.u32 $0x4F00, s0;
	s1 =	sand.u32 $0x1, s1;
	s5 =	sshll.u32 s0, $0x1  }
0x6: {  	[smem:$0x7FF] =	sst s4;
	s7 =	sadd.s32 $0x1F200, s8;
	s5 =	sor.u32 s1, s5  }
0x7: {  	s22 =	sshll.u32 s0, $0x6;
	s6 =	sshrl.u32 s31, $0x3;
	s5 =	smul.u32 $0x4E2, s5  }
0x8: {  	_ =	strace $0x8000004D;
	[dreg:$0x4] =	wrdreg s7;
	s6 =	sadd.s32 s6, s8  }
0x9: {  	s9 =	rddreg [dreg:$0x4];
	s6 =	sadd.s32 $0x15400, s6;
	s20 =	sadd.s32 s5, s8  }
0xa: {  	s21 =	sadd.s32 s31, s2;
	[dreg:$0x5] =	wrdreg s6;
	s23 =	sadd.s32 $0x1800, s20  }
0xb: {  	s7 =	sshrl.u32 s21, $0x3;
	s24 =	sadd.s32 $0xB600, s20;
	[dreg:$0x6] =	wrdreg s23  }
0xc: {  	s5 =	sor.u32 $0x1C02, s22;
	s6 =	simm.s32 $0x2;
	[dreg:$0x7] =	wrdreg s24  }
0xd: {  	[spmem:s7], [sflag:s5] =	dma.local [hbm:s9], $0x9E0  }
0xe: {  	_ =	swait.ge [sflag:s6], $0x9E0  }
0xf: {  	s26 =	sadd.s32 s31, s3;
	[sflag:s6] =	ssyncset.done $0x0  }
0x10: {  	s8 =	sshrl.u32 s26, $0x3;
	s25 =	rddreg [dreg:$0x5];
	[sflag:s6] =	ssyncadd.s32 $0xFFFFF620  }
0x11: {  	[spmem:s8], [sflag:s5] =	dma.local [hbm:s25], $0x9E0  }
0x12: {  	_ =	swait.ge [sflag:s6], $0x9E0  }
0x13: {  	[sflag:s6] =	ssyncset.done $0x0  }
0x14: {  	s0 =	rddreg [dreg:$0x6];
	[sflag:s6] =	ssyncadd.s32 $0xFFFFF620  }
0x15: {  	[tilespmem:s4], [sflag:$0x2] =	stream.linear.gather [hbm4b:s0+s4], $0x2710, $0x38;
	[tilespmem:$0x16920] =	vst v63  }
0x16: {  	_ =	swait.ge [sflag:s6], $0x2710  }
0x17: {  	[sflag:s6] =	ssyncset.done $0x0  }
0x18: {  	s9 =	simm.s32 $0x2710;
	s10 =	rddreg [dreg:$0x7];
	[sflag:s6] =	ssyncadd.s32 $0xFFFFD8F0  }
0x19: {  	[tilespmem:s9], [sflag:$0x2] =	stream.linear.gather [hbm4b:s10+s4], $0x2710, $0x38;
	[tilespmem:$0x16920] =	vst v63  }
0x1a: {  	_ =	swait.ge [sflag:s6], $0x2710  }
0x1b: {  	[sflag:s6] =	ssyncset.done $0x0  }
0x1c: {  	s11 =	simm.s32 $0x4E20;
	[sflag:s6] =	ssyncadd.s32 $0xFFFFD8F0  }
0x1d: {  	s12 =	simm.s32 $0x1;
	s10 =	simm.s32 $0x3E8;
	[bflag:$0x0] =	sbarrier.arrive $0xFFFF  }
0x1e: {  	[tilespmem:s11], [sflag:$0x1] =	stream.indirect.gather [spmem:s3], $0x20, s4, s10, $0xb8;
	[tilespmem:$0x16920] =	vst v63  }
0x1f: {  	_ =	swait.ge [sflag:s12], $0x7D00  }
0x20: {  	[sflag:s12] =	ssyncset.done $0x0  }
0x21: {  	[sflag:s12] =	ssyncadd.s32 $0xFFFF8300  }
0x22: {  	[spmem:s2] =	stream.indirect.scatter.add.f32 [tilespmem:s11], [sflag:$0x2], $0x20, s9, s10, $0xb8;
	[tilespmem:$0x16920] =	vst v63  }
0x23: {  	_ =	swait.ge [sflag:s6], $0x7D00  }
0x24: {  	[sflag:s6] =	ssyncset.done $0x0  }
0x25: {  	[sflag:s6] =	ssyncadd.s32 $0xFFFF8300  }
0x26: {  	[tilespmem:s11], [sflag:$0x1] =	stream.indirect.gather [spmem:s3], $0x20, s10, s10, $0xb8;
	[tilespmem:$0x16920] =	vst v63  }
0x27: {  	_ =	swait.ge [sflag:s12], $0x7D00  }
0x28: {  	[sflag:s12] =	ssyncset.done $0x0  }
0x29: {  	s13 =	simm.s32 $0x2AF8;
	[sflag:s12] =	ssyncadd.s32 $0xFFFF8300  }
0x2a: {  	[spmem:s2] =	stream.indirect.scatter.add.f32 [tilespmem:s11], [sflag:$0x2], $0x20, s13, s10, $0xb8;
	[tilespmem:$0x16920] =	vst v63  }
0x2b: {  	_ =	swait.ge [sflag:s6], $0x7D00  }
0x2c: {  	[sflag:s6] =	ssyncset.done $0x0  }
0x2d: {  	s14 =	simm.s32 $0x7D0;
	[sflag:s6] =	ssyncadd.s32 $0xFFFF8300  }
0x2e: {  	[tilespmem:s11], [sflag:$0x1] =	stream.indirect.gather [spmem:s3], $0x20, s14, s10, $0xb8;
	[tilespmem:$0x16920] =	vst v63  }
0x2f: {  	_ =	swait.ge [sflag:s12], $0x7D00  }
0x30: {  	[sflag:s12] =	ssyncset.done $0x0  }
0x31: {  	s15 =	simm.s32 $0x2EE0;
	[sflag:s12] =	ssyncadd.s32 $0xFFFF8300  }
0x32: {  	[spmem:s2] =	stream.indirect.scatter.add.f32 [tilespmem:s11], [sflag:$0x2], $0x20, s15, s10, $0xb8;
	[tilespmem:$0x16920] =	vst v63  }
0x33: {  	_ =	swait.ge [sflag:s6], $0x7D00  }
0x34: {  	[sflag:s6] =	ssyncset.done $0x0  }
0x35: {  	s16 =	simm.s32 $0xBB8;
	[sflag:s6] =	ssyncadd.s32 $0xFFFF8300  }
0x36: {  	[tilespmem:s11], [sflag:$0x1] =	stream.indirect.gather [spmem:s3], $0x20, s16, s10, $0xb8;
	[tilespmem:$0x16920] =	vst v63  }
0x37: {  	_ =	swait.ge [sflag:s12], $0x7D00  }
0x38: {  	[sflag:s12] =	ssyncset.done $0x0  }
0x39: {  	s17 =	simm.s32 $0x32C8;
	[sflag:s12] =	ssyncadd.s32 $0xFFFF8300  }
0x3a: {  	[spmem:s2] =	stream.indirect.scatter.add.f32 [tilespmem:s11], [sflag:$0x2], $0x20, s17, s10, $0xb8;
	[tilespmem:$0x16920] =	vst v63  }
0x3b: {  	_ =	swait.ge [sflag:s6], $0x7D00  }
0x3c: {  	[sflag:s6] =	ssyncset.done $0x0  }
0x3d: {  	s18 =	simm.s32 $0xFA0;
	[sflag:s6] =	ssyncadd.s32 $0xFFFF8300  }
0x3e: {  	[tilespmem:s11], [sflag:$0x1] =	stream.indirect.gather [spmem:s3], $0x20, s18, s10, $0xb8;
	[tilespmem:$0x16920] =	vst v63  }
0x3f: {  	_ =	swait.ge [sflag:s12], $0x7D00  }
0x40: {  	[sflag:s12] =	ssyncset.done $0x0  }
0x41: {  	s19 =	simm.s32 $0x36B0;
	[sflag:s12] =	ssyncadd.s32 $0xFFFF8300  }
0x42: {  	[spmem:s2] =	stream.indirect.scatter.add.f32 [tilespmem:s11], [sflag:$0x2], $0x20, s19, s10, $0xb8;
	[tilespmem:$0x16920] =	vst v63  }
0x43: {  	_ =	swait.ge [sflag:s6], $0x7D00  }
0x44: {  	[sflag:s6] =	ssyncset.done $0x0  }
0x45: {  	s20 =	simm.s32 $0x1388;
	[sflag:s6] =	ssyncadd.s32 $0xFFFF8300  }
0x46: {  	[tilespmem:s11], [sflag:$0x1] =	stream.indirect.gather [spmem:s3], $0x20, s20, s10, $0xb8;
	[tilespmem:$0x16920] =	vst v63  }
0x47: {  	_ =	swait.ge [sflag:s12], $0x7D00  }
0x48: {  	[sflag:s12] =	ssyncset.done $0x0  }
0x49: {  	s21 =	simm.s32 $0x3A98;
	[sflag:s12] =	ssyncadd.s32 $0xFFFF8300  }
0x4a: {  	[spmem:s2] =	stream.indirect.scatter.add.f32 [tilespmem:s11], [sflag:$0x2], $0x20, s21, s10, $0xb8;
	[tilespmem:$0x16920] =	vst v63  }
0x4b: {  	_ =	swait.ge [sflag:s6], $0x7D00  }
0x4c: {  	[sflag:s6] =	ssyncset.done $0x0  }
0x4d: {  	s22 =	simm.s32 $0x1770;
	[sflag:s6] =	ssyncadd.s32 $0xFFFF8300  }
0x4e: {  	[tilespmem:s11], [sflag:$0x1] =	stream.indirect.gather [spmem:s3], $0x20, s22, s10, $0xb8;
	[tilespmem:$0x16920] =	vst v63  }
0x4f: {  	_ =	swait.ge [sflag:s12], $0x7D00  }
0x50: {  	[sflag:s12] =	ssyncset.done $0x0  }
0x51: {  	s23 =	simm.s32 $0x3E80;
	[sflag:s12] =	ssyncadd.s32 $0xFFFF8300  }
0x52: {  	[spmem:s2] =	stream.indirect.scatter.add.f32 [tilespmem:s11], [sflag:$0x2], $0x20, s23, s10, $0xb8;
	[tilespmem:$0x16920] =	vst v63  }
0x53: {  	_ =	swait.ge [sflag:s6], $0x7D00  }
0x54: {  	[sflag:s6] =	ssyncset.done $0x0  }
0x55: {  	s24 =	simm.s32 $0x1B58;
	[sflag:s6] =	ssyncadd.s32 $0xFFFF8300  }
0x56: {  	[tilespmem:s11], [sflag:$0x1] =	stream.indirect.gather [spmem:s3], $0x20, s24, s10, $0xb8;
	[tilespmem:$0x16920] =	vst v63  }
0x57: {  	_ =	swait.ge [sflag:s12], $0x7D00  }
0x58: {  	[sflag:s12] =	ssyncset.done $0x0  }
0x59: {  	s25 =	simm.s32 $0x4268;
	[sflag:s12] =	ssyncadd.s32 $0xFFFF8300  }
0x5a: {  	[spmem:s2] =	stream.indirect.scatter.add.f32 [tilespmem:s11], [sflag:$0x2], $0x20, s25, s10, $0xb8;
	[tilespmem:$0x16920] =	vst v63  }
0x5b: {  	_ =	swait.ge [sflag:s6], $0x7D00  }
0x5c: {  	[sflag:s6] =	ssyncset.done $0x0  }
0x5d: {  	s26 =	simm.s32 $0x1F40;
	[sflag:s6] =	ssyncadd.s32 $0xFFFF8300  }
0x5e: {  	[tilespmem:s11], [sflag:$0x1] =	stream.indirect.gather [spmem:s3], $0x20, s26, s10, $0xb8;
	[tilespmem:$0x16920] =	vst v63  }
0x5f: {  	_ =	swait.ge [sflag:s12], $0x7D00  }
0x60: {  	[sflag:s12] =	ssyncset.done $0x0  }
0x61: {  	s28 =	simm.s32 $0x4650;
	[sflag:s12] =	ssyncadd.s32 $0xFFFF8300  }
0x62: {  	[spmem:s2] =	stream.indirect.scatter.add.f32 [tilespmem:s11], [sflag:$0x2], $0x20, s28, s10, $0xb8;
	[tilespmem:$0x16920] =	vst v63  }
0x63: {  	_ =	swait.ge [sflag:s6], $0x7D00  }
0x64: {  	[sflag:s6] =	ssyncset.done $0x0  }
0x65: {  	s29 =	simm.s32 $0x2328;
	s0 =	smul.u32 $0x4F000, s1;
	[sflag:s6] =	ssyncadd.s32 $0xFFFF8300  }
0x66: {  	[tilespmem:s11], [sflag:$0x1] =	stream.indirect.gather [spmem:s3], $0x20, s29, s10, $0xb8;
	[tilespmem:$0x16920] =	vst v63  }
0x67: {  	_ =	swait.ge [sflag:s12], $0x7D00  }
0x68: {  	s30 =	simm.s32 $0x4A38;
	s0 =	sadd.s32 s31, s0;
	[sflag:s12] =	ssyncset.done $0x0  }
0x69: {  	s1 =	ssub.s32 $0x2, s1;
	s0 =	sshrl.u32 s0, $0x3;
	[sflag:s12] =	ssyncadd.s32 $0xFFFF8300  }
0x6a: {  	[spmem:s2] =	stream.indirect.scatter.add.f32 [tilespmem:s11], [sflag:$0x2], $0x20, s30, s10, $0xb8;
	[tilespmem:$0x16920] =	vst v63  }
0x6b: {  	_ =	swait.ge [sflag:s6], $0x7D00;
	[dreg:$0x8] =	wrdreg s0;
	s0 =	sshrl.u32 s1, $0x1  }
0x6c: {  	[dreg:$0x9] =	wrdreg s0  }
0x6d: {  	[sflag:s6] =	ssyncset.done $0x0;
	s31 =	rddreg [dreg:$0x8]  }
0x6e: {  	s0 =	rddreg [dreg:$0x0]  }
0x6f: {  	s0 =	sadd.s32 s31, s0;
	s31 =	rddreg [dreg:$0x9]  }
0x70: {  	s1 =	ssub.s32 s1, s31  }
0x71: {  	s1 =	smax.u32 s1, $0x1  }
0x72: {  	p0 =	sne.s32 s1, $0x1  }
.Ltmp0:
0x73: {  	_ = 	snop;
	(pc) =	sbr.rel @!p0 .LBB2_2-.Ltmp0, $4  }
0x74: {  	[sflag:s6] =	ssyncadd.s32 $0xFFFF8300  }
0x75: {  	[bflag:$0x0] =	sbarrier.arrive $0xFFFF;
	s31 =	sadd.s32 $0x1FC00, s0  }
0x76: {  	[hbm:s31], [sflag:s5] =	dma.local [spmem:s7], $0x9E0  }
0x77: {  	s0 =	sadd.s32 $0xFFFFFFFF, s1;
	_ =	swait.ge [sflag:s6], $0x9E0  }
.LBB2_1:
0x78: {  	[sflag:s6] =	ssyncset.done $0x0  }
0x79: {  	s1 =	rddreg [dreg:$0x4];
	[sflag:s6] =	ssyncadd.s32 $0xFFFFF620  }
0x7a: {  	[spmem:s7], [sflag:s5] =	dma.local [hbm:s1], $0x9E0  }
0x7b: {  	_ =	swait.ge [sflag:s6], $0x9E0  }
0x7c: {  	[sflag:s6] =	ssyncset.done $0x0  }
0x7d: {  	s1 =	rddreg [dreg:$0x5];
	[sflag:s6] =	ssyncadd.s32 $0xFFFFF620  }
0x7e: {  	[spmem:s8], [sflag:s5] =	dma.local [hbm:s1], $0x9E0  }
0x7f: {  	_ =	swait.ge [sflag:s6], $0x9E0  }
0x80: {  	[sflag:s6] =	ssyncset.done $0x0  }
0x81: {  	s1 =	rddreg [dreg:$0x6];
	[sflag:s6] =	ssyncadd.s32 $0xFFFFF620  }
0x82: {  	[tilespmem:s4], [sflag:$0x2] =	stream.linear.gather [hbm4b:s1+s4], $0x2710, $0x38;
	[tilespmem:$0x16920] =	vst v63  }
0x83: {  	_ =	swait.ge [sflag:s6], $0x2710  }
0x84: {  	[sflag:s6] =	ssyncset.done $0x0  }
0x85: {  	s1 =	rddreg [dreg:$0x7];
	[sflag:s6] =	ssyncadd.s32 $0xFFFFD8F0  }
0x86: {  	[tilespmem:s9], [sflag:$0x2] =	stream.linear.gather [hbm4b:s1+s4], $0x2710, $0x38;
	[tilespmem:$0x16920] =	vst v63  }
0x87: {  	_ =	swait.ge [sflag:s6], $0x2710  }
0x88: {  	[sflag:s6] =	ssyncset.done $0x0  }
0x89: {  	[sflag:s6] =	ssyncadd.s32 $0xFFFFD8F0  }
0x8a: {  	[bflag:$0x0] =	sbarrier.arrive $0xFFFF  }
0x8b: {  	[tilespmem:s11], [sflag:$0x1] =	stream.indirect.gather [spmem:s3], $0x20, s4, s10, $0xb8;
	[tilespmem:$0x16920] =	vst v63  }
0x8c: {  	_ =	swait.ge [sflag:s12], $0x7D00  }
0x8d: {  	[sflag:s12] =	ssyncset.done $0x0  }
0x8e: {  	[sflag:s12] =	ssyncadd.s32 $0xFFFF8300  }
0x8f: {  	[spmem:s2] =	stream.indirect.scatter.add.f32 [tilespmem:s11], [sflag:$0x2], $0x20, s9, s10, $0xb8;
	[tilespmem:$0x16920] =	vst v63  }
0x90: {  	_ =	swait.ge [sflag:s6], $0x7D00  }
0x91: {  	[sflag:s6] =	ssyncset.done $0x0  }
0x92: {  	[sflag:s6] =	ssyncadd.s32 $0xFFFF8300  }
0x93: {  	[tilespmem:s11], [sflag:$0x1] =	stream.indirect.gather [spmem:s3], $0x20, s10, s10, $0xb8;
	[tilespmem:$0x16920] =	vst v63  }
0x94: {  	_ =	swait.ge [sflag:s12], $0x7D00  }
0x95: {  	[sflag:s12] =	ssyncset.done $0x0  }
0x96: {  	[sflag:s12] =	ssyncadd.s32 $0xFFFF8300  }
0x97: {  	[spmem:s2] =	stream.indirect.scatter.add.f32 [tilespmem:s11], [sflag:$0x2], $0x20, s13, s10, $0xb8;
	[tilespmem:$0x16920] =	vst v63  }
0x98: {  	_ =	swait.ge [sflag:s6], $0x7D00  }
0x99: {  	[sflag:s6] =	ssyncset.done $0x0  }
0x9a: {  	[sflag:s6] =	ssyncadd.s32 $0xFFFF8300  }
0x9b: {  	[tilespmem:s11], [sflag:$0x1] =	stream.indirect.gather [spmem:s3], $0x20, s14, s10, $0xb8;
	[tilespmem:$0x16920] =	vst v63  }
0x9c: {  	_ =	swait.ge [sflag:s12], $0x7D00  }
0x9d: {  	[sflag:s12] =	ssyncset.done $0x0  }
0x9e: {  	[sflag:s12] =	ssyncadd.s32 $0xFFFF8300  }
0x9f: {  	[spmem:s2] =	stream.indirect.scatter.add.f32 [tilespmem:s11], [sflag:$0x2], $0x20, s15, s10, $0xb8;
	[tilespmem:$0x16920] =	vst v63  }
0xa0: {  	_ =	swait.ge [sflag:s6], $0x7D00  }
0xa1: {  	[sflag:s6] =	ssyncset.done $0x0  }
0xa2: {  	[sflag:s6] =	ssyncadd.s32 $0xFFFF8300  }
0xa3: {  	[tilespmem:s11], [sflag:$0x1] =	stream.indirect.gather [spmem:s3], $0x20, s16, s10, $0xb8;
	[tilespmem:$0x16920] =	vst v63  }
0xa4: {  	_ =	swait.ge [sflag:s12], $0x7D00  }
0xa5: {  	[sflag:s12] =	ssyncset.done $0x0  }
0xa6: {  	[sflag:s12] =	ssyncadd.s32 $0xFFFF8300  }
0xa7: {  	[spmem:s2] =	stream.indirect.scatter.add.f32 [tilespmem:s11], [sflag:$0x2], $0x20, s17, s10, $0xb8;
	[tilespmem:$0x16920] =	vst v63  }
0xa8: {  	_ =	swait.ge [sflag:s6], $0x7D00  }
0xa9: {  	[sflag:s6] =	ssyncset.done $0x0  }
0xaa: {  	[sflag:s6] =	ssyncadd.s32 $0xFFFF8300  }
0xab: {  	[tilespmem:s11], [sflag:$0x1] =	stream.indirect.gather [spmem:s3], $0x20, s18, s10, $0xb8;
	[tilespmem:$0x16920] =	vst v63  }
0xac: {  	_ =	swait.ge [sflag:s12], $0x7D00  }
0xad: {  	[sflag:s12] =	ssyncset.done $0x0  }
0xae: {  	[sflag:s12] =	ssyncadd.s32 $0xFFFF8300  }
0xaf: {  	[spmem:s2] =	stream.indirect.scatter.add.f32 [tilespmem:s11], [sflag:$0x2], $0x20, s19, s10, $0xb8;
	[tilespmem:$0x16920] =	vst v63  }
0xb0: {  	_ =	swait.ge [sflag:s6], $0x7D00  }
0xb1: {  	[sflag:s6] =	ssyncset.done $0x0  }
0xb2: {  	[sflag:s6] =	ssyncadd.s32 $0xFFFF8300  }
0xb3: {  	[tilespmem:s11], [sflag:$0x1] =	stream.indirect.gather [spmem:s3], $0x20, s20, s10, $0xb8;
	[tilespmem:$0x16920] =	vst v63  }
0xb4: {  	_ =	swait.ge [sflag:s12], $0x7D00  }
0xb5: {  	[sflag:s12] =	ssyncset.done $0x0  }
0xb6: {  	[sflag:s12] =	ssyncadd.s32 $0xFFFF8300  }
0xb7: {  	[spmem:s2] =	stream.indirect.scatter.add.f32 [tilespmem:s11], [sflag:$0x2], $0x20, s21, s10, $0xb8;
	[tilespmem:$0x16920] =	vst v63  }
0xb8: {  	_ =	swait.ge [sflag:s6], $0x7D00  }
0xb9: {  	[sflag:s6] =	ssyncset.done $0x0  }
0xba: {  	[sflag:s6] =	ssyncadd.s32 $0xFFFF8300  }
0xbb: {  	[tilespmem:s11], [sflag:$0x1] =	stream.indirect.gather [spmem:s3], $0x20, s22, s10, $0xb8;
	[tilespmem:$0x16920] =	vst v63  }
0xbc: {  	_ =	swait.ge [sflag:s12], $0x7D00  }
0xbd: {  	[sflag:s12] =	ssyncset.done $0x0  }
0xbe: {  	[sflag:s12] =	ssyncadd.s32 $0xFFFF8300  }
0xbf: {  	[spmem:s2] =	stream.indirect.scatter.add.f32 [tilespmem:s11], [sflag:$0x2], $0x20, s23, s10, $0xb8;
	[tilespmem:$0x16920] =	vst v63  }
0xc0: {  	_ =	swait.ge [sflag:s6], $0x7D00  }
0xc1: {  	[sflag:s6] =	ssyncset.done $0x0  }
0xc2: {  	[sflag:s6] =	ssyncadd.s32 $0xFFFF8300  }
0xc3: {  	[tilespmem:s11], [sflag:$0x1] =	stream.indirect.gather [spmem:s3], $0x20, s24, s10, $0xb8;
	[tilespmem:$0x16920] =	vst v63  }
0xc4: {  	_ =	swait.ge [sflag:s12], $0x7D00  }
0xc5: {  	[sflag:s12] =	ssyncset.done $0x0  }
0xc6: {  	[sflag:s12] =	ssyncadd.s32 $0xFFFF8300  }
0xc7: {  	[spmem:s2] =	stream.indirect.scatter.add.f32 [tilespmem:s11], [sflag:$0x2], $0x20, s25, s10, $0xb8;
	[tilespmem:$0x16920] =	vst v63  }
0xc8: {  	_ =	swait.ge [sflag:s6], $0x7D00  }
0xc9: {  	[sflag:s6] =	ssyncset.done $0x0  }
0xca: {  	[sflag:s6] =	ssyncadd.s32 $0xFFFF8300  }
0xcb: {  	[tilespmem:s11], [sflag:$0x1] =	stream.indirect.gather [spmem:s3], $0x20, s26, s10, $0xb8;
	[tilespmem:$0x16920] =	vst v63  }
0xcc: {  	_ =	swait.ge [sflag:s12], $0x7D00  }
0xcd: {  	[sflag:s12] =	ssyncset.done $0x0  }
0xce: {  	[sflag:s12] =	ssyncadd.s32 $0xFFFF8300  }
0xcf: {  	[spmem:s2] =	stream.indirect.scatter.add.f32 [tilespmem:s11], [sflag:$0x2], $0x20, s28, s10, $0xb8;
	[tilespmem:$0x16920] =	vst v63  }
0xd0: {  	_ =	swait.ge [sflag:s6], $0x7D00  }
0xd1: {  	[sflag:s6] =	ssyncset.done $0x0  }
0xd2: {  	[sflag:s6] =	ssyncadd.s32 $0xFFFF8300  }
0xd3: {  	[tilespmem:s11], [sflag:$0x1] =	stream.indirect.gather [spmem:s3], $0x20, s29, s10, $0xb8;
	[tilespmem:$0x16920] =	vst v63  }
0xd4: {  	_ =	swait.ge [sflag:s12], $0x7D00  }
0xd5: {  	[sflag:s12] =	ssyncset.done $0x0  }
0xd6: {  	[sflag:s12] =	ssyncadd.s32 $0xFFFF8300  }
0xd7: {  	[spmem:s2] =	stream.indirect.scatter.add.f32 [tilespmem:s11], [sflag:$0x2], $0x20, s30, s10, $0xb8;
	[tilespmem:$0x16920] =	vst v63  }
0xd8: {  	p0 =	sne.s32 s0, $0x1;
	_ =	swait.ge [sflag:s6], $0x7D00  }
.Ltmp1:
0xd9: {  	[sflag:s6] =	ssyncset.done $0x0;
	(pc) =	sbr.rel @p0 .LBB2_1-.Ltmp1, $4  }
0xda: {  	[sflag:s6] =	ssyncadd.s32 $0xFFFF8300  }
0xdb: {  	[bflag:$0x0] =	sbarrier.arrive $0xFFFF  }
0xdc: {  	[hbm:s31], [sflag:s5] =	dma.local [spmem:s7], $0x9E0  }
0xdd: {  	s0 =	sadd.s32 $0xFFFFFFFF, s0;
	_ =	swait.ge [sflag:s6], $0x9E0  }
.LBB2_2:
0xde: {  	[sflag:s6] =	ssyncset.done $0x0  }
0xdf: {  	[sflag:s6] =	ssyncadd.s32 $0xFFFFF620  }
0xe0: {  	_ =	sfence.sel $0x180000  }
0xe1: {  	[bflag:$0x0] =	sbarrier.arrive $0xFFFF  }
0xe2: {  	_ =	strace $0x9000004D  }
0xe3: {  	s0 =	stileid.u32;
	[bflag:$0x2] =	sbarrier.arrive $0xFFFF  }
0xe4: {  	p0 =	sne.s32 s0, $0x0;
	s0 =	rddreg [dreg:$0x3]  }
0xe5: {  	s0 =	sadd.s32 @!p0 $0x100000, s0  }
0xe6: {  	[sflag:s0] =	ssyncadd.tile.s32 @!p0 $0x1;
	_ =	shalt  }
.Lfunc_end2:
_tile_overlayer_lowered:
.L_overlay_start_2:
0xe7: {  	(tag) =	ssettag $0x2  }
0xe8: {  	s0 =	rddreg [dreg:$0x0];
	s2 =	stileid.u32  }
0xe9: {  	s1 =	rddreg [dreg:$0x1];
	p0 =	sne.s32 s2, $0x0  }
0xea: {  	s3 =	rddreg [dreg:$0x2];
	[bflag:$0x3] =	sbarrier.arrive $0xFFFF;
	s2 =	simm.s32 @!p0 $0x1C02  }
0xeb: {  	[timem:s3], [sflag:s2] =	dma.local @!p0 [hbm:s0], s1  }
0xec: {  	s0 =	simm.s32 @!p0 $0x2  }
0xed: {  	_ =	swait.ge @!p0 [sflag:s0], s1  }
0xee: {  	s1 =	ssub.s32 @!p0 $0x0, s1;
	[sflag:s0] =	ssyncset.done @!p0 $0x0  }
0xef: {  	[sflag:s0] =	ssyncadd.s32 @!p0 s1  }
0xf0: {  	[bflag:$0x3] =	sbarrier.arrive $0xFFFF  }
0xf1: {  	_ =	shalt  }

// kernel: _run.8.cloned.1.call-start
scs
__scs_entry_jumppad:
0x0: {  	(pc) =	sbr.rel $0x88, $3  }
0x1: {  	(tag) =	ssettag $0x0;
	lr =	simm.s32 $0x1  }
0x2: {  	[smem:$0x3F99] =	sst lr;
	_ =	strace $0xD0000000  }
0x3: {  	_ = 	snop  }
0x4: {  	_ = 	snop  }
0x5: {  	_ = 	snop  }
0x6: {  	_ = 	snop  }
0x7: {  	_ = 	snop  }
__scs_overlays_trampoline_lowered:
0x8: {  	[smem:$0x3FA8] =	sst s0  }
0x9: {  	[smem:$0x3FA9] =	sst s1  }
0xa: {  	[smem:$0x3FAA] =	sst s2  }
0xb: {  	[smem:$0x3FAB] =	sst s3  }
0xc: {  	[smem:$0x3FAC] =	sst s4  }
0xd: {  	[smem:$0x3FAD] =	sst s5  }
0xe: {  	[smem:$0x3FAE] =	sst s6  }
0xf: {  	[smem:$0x3FAF] =	sst s7  }
0x10: {  	[smem:$0x3FB0] =	sst s8  }
0x11: {  	[smem:$0x3FB1] =	sst s9;
	s0 =	simm.s32 @!p0 $0x0  }
0x12: {  	s1 =	sld [smem:$0x3F97];
	s0 =	simm.s32 @p0 $0x1  }
0x13: {  	[smem:$0x3FB2] =	sst s0;
	s0 =	simm.s32 @!p1 $0x0  }
0x14: {  	s2 =	sld [smem:$0x3F96];
	s0 =	simm.s32 @p1 $0x1  }
0x15: {  	[smem:$0x3FB3] =	sst s0;
	s0 =	simm.s32 @!p2 $0x0  }
0x16: {  	s3 =	sld [smem:$0x3FDB];
	s0 =	simm.s32 @p2 $0x1  }
0x17: {  	s4 =	simm.s32 $0x1BF5;
	[smem:$0x3FB5] =	sst s0  }
0x18: {  	s0 =	sld [smem:$0x3F98];
	_ =	swait.ge [sflag:s4], $0x0  }
0x19: {  	s7 =	sld [smem:$0x3F99]  }
0x1a: {  	s8 =	sadd.s32 $0xFFFFE003, lr  }
0x1b: {  	s9 =	sadd.s32 $0xFFFFFEF7, lr;
	s5 =	simm.s32 $0xFFFFFFFF;
	p2 =	slt.u32 s8, $0xFFFFF086  }
0x1c: {  	p1 =	slt.u32 s9, $0xF7A;
	s5 =	simm.s32 @!p2 $0x0  }
0x1d: {  	s5 =	simm.s32 @p1 $0x1;
	p0 =	seq.s32 s7, s2  }
0x1e: {  	s7 =	smul.u32 @!p0 $0xF7A, s2;
	p2 =	seq.s32 @!p0 s5, $0x0  }
0x1f: {  	s9 =	smul.u32 $0xF7A, s1;
	s8 =	simm.s32 @!p0 $0x1BF5;
	p2 =	por !p2, p0  }
0x20: {  	[sflag:s8] =	ssyncset.s32 @!p0 $0xFFFFF086;
	s6 =	sadd.s32 @!p0 s3, s7;
	s7 =	simm.s32 @!p0 $0x108  }
0x21: {  	s3 =	sadd.s32 s3, s9;
	s6 =	sadd.s32 @!p0 $0x88, s6;
	s7 =	simm.s32 @p2 $0x1082  }
0x22: {  	[simem:s7], [sflag:s8] =	dma.local @!p0 [hbm:s6], $0xF7A  }
0x23: {  	s9 =	sor.u32 $0xD0000000, s2;
	s6 =	simm.s32 $0x108;
	_ =	swait.ge @!p0 [sflag:s8], $0x0  }
0x24: {  	s3 =	sadd.s32 $0x88, s3;
	s6 =	simm.s32 @!p1 $0x1082;
	[sflag:s4] =	ssyncset.s32 $0xFFFFF086  }
0x25: {  	[simem:s6], [sflag:s4] =	dma.local [hbm:s3], $0xF7A  }
0x26: {  	[smem:$0x3F99] =	sst s1;
	(tag) =	ssettag s2;
	_ =	strace s9  }
0x27: {  	s1 =	sld [smem:$0x3FA9]  }
0x28: {  	s2 =	sld [smem:$0x3FAA]  }
0x29: {  	s4 =	sld [smem:$0x3FAC]  }
0x2a: {  	p0 =	seq.s32 s5, $0x0;
	s5 =	sld [smem:$0x3FAD]  }
0x2b: {  	s6 =	sld [smem:$0x3FAE]  }
0x2c: {  	s7 =	sld [smem:$0x3FAF]  }
0x2d: {  	s3 =	simm.s32 $0x108;
	s8 =	sld [smem:$0x3FB0]  }
0x2e: {  	s3 =	simm.s32 @!p0 $0x1082;
	s9 =	sld [smem:$0x3FB1]  }
0x2f: {  	lr =	sadd.s32 s0, s3;
	s0 =	sld [smem:$0x3FA8]  }
0x30: {  	s3 =	sld [smem:$0x3FAB]  }
0x31: {  	[smem:$0x3FB4] =	sst s10  }
0x32: {  	s10 =	sld [smem:$0x3FB2];
	_ =	sdelay $0x3  }
0x33: {  	p0 =	seq.s32 s10, $0x1;
	s10 =	sld [smem:$0x3FB4];
	_ =	sdelay $0x3  }
0x34: {  	[smem:$0x3FB4] =	sst s10  }
0x35: {  	s10 =	sld [smem:$0x3FB3];
	_ =	sdelay $0x3  }
0x36: {  	p1 =	seq.s32 s10, $0x1;
	s10 =	sld [smem:$0x3FB4];
	_ =	sdelay $0x3  }
0x37: {  	[smem:$0x3FB4] =	sst s10  }
0x38: {  	s10 =	sld [smem:$0x3FB5]  }
0x39: {  	_ = 	snop;
	(pc) =	sbr.ind lr, $3  }
0x3a: {  	_ = 	snop  }
0x3b: {  	_ = 	snop  }
0x3c: {  	p2 =	seq.s32 s10, $0x1;
	s10 =	sld [smem:$0x3FB4]  }
0x3d: {  	_ =	shalt  }
0x3e: {  	_ =	shalt  }
0x3f: {  	_ =	shalt  }
0x40: {  	_ =	shalt  }
0x41: {  	_ =	shalt  }
0x42: {  	_ =	shalt  }
0x43: {  	_ =	shalt  }
0x44: {  	_ =	shalt  }
0x45: {  	_ =	shalt  }
0x46: {  	_ =	shalt  }
0x47: {  	_ =	shalt  }
0x48: {  	_ =	shalt  }
0x49: {  	_ =	shalt  }
0x4a: {  	_ =	shalt  }
0x4b: {  	_ =	shalt  }
0x4c: {  	_ =	shalt  }
0x4d: {  	_ =	shalt  }
0x4e: {  	_ =	shalt  }
0x4f: {  	_ =	shalt  }
0x50: {  	_ =	shalt  }
0x51: {  	_ =	shalt  }
0x52: {  	_ =	shalt  }
0x53: {  	_ =	shalt  }
0x54: {  	_ =	shalt  }
0x55: {  	_ =	shalt  }
0x56: {  	_ =	shalt  }
0x57: {  	_ =	shalt  }
0x58: {  	_ =	shalt  }
0x59: {  	_ =	shalt  }
0x5a: {  	_ =	shalt  }
0x5b: {  	_ =	shalt  }
0x5c: {  	_ =	shalt  }
0x5d: {  	_ =	shalt  }
0x5e: {  	_ =	shalt  }
0x5f: {  	_ =	shalt  }
0x60: {  	_ =	shalt  }
0x61: {  	_ =	shalt  }
0x62: {  	_ =	shalt  }
0x63: {  	_ =	shalt  }
0x64: {  	_ =	shalt  }
0x65: {  	_ =	shalt  }
0x66: {  	_ =	shalt  }
0x67: {  	_ =	shalt  }
0x68: {  	_ =	shalt  }
0x69: {  	_ =	shalt  }
0x6a: {  	_ =	shalt  }
0x6b: {  	_ =	shalt  }
0x6c: {  	_ =	shalt  }
0x6d: {  	_ =	shalt  }
0x6e: {  	_ =	shalt  }
0x6f: {  	_ =	shalt  }
0x70: {  	_ =	shalt  }
0x71: {  	_ =	shalt  }
0x72: {  	_ =	shalt  }
0x73: {  	_ =	shalt  }
0x74: {  	_ =	shalt  }
0x75: {  	_ =	shalt  }
0x76: {  	_ =	shalt  }
0x77: {  	_ =	shalt  }
0x78: {  	_ =	shalt  }
0x79: {  	_ =	shalt  }
0x7a: {  	_ =	shalt  }
0x7b: {  	_ =	shalt  }
0x7c: {  	_ =	shalt  }
0x7d: {  	_ =	shalt  }
0x7e: {  	_ =	shalt  }
0x7f: {  	_ =	shalt  }
0x80: {  	_ =	shalt  }
0x81: {  	_ =	shalt  }
0x82: {  	_ =	shalt  }
0x83: {  	_ =	shalt  }
0x84: {  	_ =	shalt  }
0x85: {  	_ =	shalt  }
0x86: {  	_ =	shalt  }
0x87: {  	_ =	shalt  }
.Lfunc_end0:
.L_simem_size_0:
called_computation_lowered:
.L_overlay_start_0:
0x88: {  	s2 =	sld [smem:$0x3FD9]  }
0x89: {  	s3 =	sld [smem:$0x3FFE];
	_ =	sdelay $0x1  }
0x8a: {  	s1 =	srdreg.scid  }
0x8b: {  	s0 =	sand.u32 $0x1, s1  }
0x8c: {  	s16 =	sshll.u32 s0, $0xA;
	s2 =	sadd.s32 s3, s2  }
0x8d: {  	s2 =	sadd.s32 s2, s16  }
0x8e: {  	[smem:$0x3FC0] =	sst s2  }
0x8f: {  	_ = 	snop  }
0x90: {  	(tm) =	ssettm $0x1  }
0x91: {  	s17 =	sld [smem:$0x3FFB];
	_ =	sdelay $0x3  }
0x92: {  	_ =	strace s17  }
0x93: {  	s2 =	sld [smem:$0x3FFC];
	_ =	sdelay $0x3  }
0x94: {  	_ =	strace s2  }
0x95: {  	s2 =	sld [smem:$0x3FFD];
	_ =	sdelay $0x3  }
0x96: {  	_ =	strace s2  }
0x97: {  	_ =	strace $0x8FFFFFFF  }
0x98: {  	s18 =	sld [smem:$0x3FDB];
	_ =	sdelay $0x1  }
0x99: {  	s19 =	simm.s32 $_scs_section_size  }
0x9a: {  	s4 =	simm.s32 $_size__tile_overlayer_lowered;
	s5 =	simm.s32 $_tile_overlayer_lowered  }
0x9b: {  	s22 =	simm.s32 $0x1BFF;
	s21 =	sshll.u32 s5, $0x1;
	s2 =	sadd.s32 s19, s18  }
0x9c: {  	s6 =	simm.s32 $0x0;
	s20 =	sshll.u32 s4, $0x1;
	s4 =	sadd.s32 s21, s2  }
0x9d: {  	[timem:s6], [sflag:s22] =	dma.local [hbm:s4], s20  }
0x9e: {  	_ =	swait.ge [sflag:s22], s20  }
0x9f: {  	s3 =	ssub.s32 $0x0, s20;
	[sflag:s22] =	ssyncset.done $0x0  }
0xa0: {  	[sflag:s22] =	ssyncadd.s32 s3;
	_ =	sdelay $0x1  }
0xa1: {  	s23 =	simm.s32 $0x1B8B  }
0xa2: {  	_ =	swait.ge [sflag:s23], $0x1  }
0xa3: {  	[sflag:s23] =	ssyncset.done $0x0  }
0xa4: {  	s25 =	simm.s32 $0x1B8E;
	s24 =	sld [smem:$0x3FFE];
	[sflag:s23] =	ssyncadd.s32 $0xFFFFFFFF  }
0xa5: {  	s26 =	simm.s32 $execute0_lowered;
	[smem:$0x3FD2] =	sst s25  }
0xa6: {  	s4 =	sshll.u32 s26, $0x1;
	_ =	strace $0x80000046;
	[dreg:$0x1] =	wrdreg $0xFFFFFFFF  }
0xa7: {  	s28 =	simm.s32 $_size_execute0_lowered;
	s2 =	sadd.s32 s2, s4;
	[dreg:$0x0] =	wrdreg $0x0  }
0xa8: {  	s4 =	sshll.u32 s28, $0x1;
	[dreg:$0x2] =	wrdreg s2  }
0xa9: {  	[dreg:$0x3] =	wrdreg s4  }
0xaa: {  	[dreg:$0x4] =	wrdreg $0xC0  }
0xab: {  	_ =	task [dreg:s6], $0x5FFFF  }
0xac: {  	[dreg:$0x1] =	wrdreg $0xFFFFFFFF  }
0xad: {  	[dreg:$0x0] =	wrdreg $0x60  }
0xae: {  	[dreg:$0x2] =	wrdreg s24  }
0xaf: {  	[dreg:$0x3] =	wrdreg $0x65900  }
0xb0: {  	[dreg:$0x4] =	wrdreg $0x9  }
0xb1: {  	_ =	task.clear_ibuf [dreg:s6], $0x5FFFF;
	_ =	strace $0x90000046  }
0xb2: {  	s29 =	simm.s32 $0x9;
	_ =	strace $0x80000048  }
0xb3: {  	_ =	swait.ge [sflag:s29], $0x1  }
0xb4: {  	[sflag:s29] =	ssyncadd.s32 $0xFFFFFFFF  }
0xb5: {  	_ =	strace $0x90000048  }
0xb6: {  	_ =	sfence  }
0xb7: {  	s30 =	sld [smem:$0x0];
	_ =	sdelay $0x2  }
0xb8: {  	s31 =	sshll.u32 s1, $0xD;
	s1 =	sshrl.u32 s1, $0x2  }
0xb9: {  	s3 =	sand.u32 $0x4000, s31;
	s1 =	sadd.s32 s1, s30  }
0xba: {  	s0 =	sor.u32 s3, s0;
	s1 =	sshll.u32 s1, $0x11  }
0xbb: {  	s0 =	sor.u32 s1, s0  }
0xbc: {  	s0 =	sadd.s32 $0x8F2B, s0  }
0xbd: {  	[sflag:s0] =	ssyncadd.remote.s32 $0x1  }
0xbe: {  	_ =	sfence.sel $0xFFFF  }
0xbf: {  	[dreg:$0x0] =	wrdreg $0xFFFFFFFF;
	(pc) =	sbr.abs _section_cstart, $3  }
0xc0: {  	[dreg:$0x1] =	wrdreg $0xFFFFFFFF  }
0xc1: {  	_ =	task.clear_ibuf [dreg:s6], $0x2FFFF;
	_ =	strace $0x9FFFFFFF  }
0xc2: {  	(tm) =	ssettm $0x7FFFFFFF  }
0xc3: {  	_ =	shalt  }
tec
execute0_lowered:
.L_overlay_start_1:
0x0: {  	(tag) =	ssettag $0x1  }
0x1: {  	s20 =	rddreg [dreg:$0x0]  }
0x2: {  	s2 =	rddreg [dreg:$0x1]  }
0x3: {  	s0 =	rddreg [dreg:$0x2];
	s1 =	stileid.u32  }
0x4: {  	s3 =	simm.s32 $0x0;
	s4 =	srdreg.scid;
	s21 =	smul.u32 $0x2780, s1  }
0x5: {  	[smem:$0x7FF] =	sst s3;
	s22 =	sand.u32 $0x1, s4;
	s4 =	sadd.s32 $0x15C00, s20  }
0x6: {  	s5 =	sshll.u32 s1, $0x6;
	_ =	strace $0x80000047;
	s6 =	sadd.s32 s21, s2  }
0x7: {  	s5 =	sor.u32 $0x1C01, s5;
	s7 =	sshrl.u32 s6, $0x3;
	s6 =	simm.s32 $0x1  }
0x8: {  	[spmem:s7], [sflag:s5] =	dma.local [hbm:s4], $0x4F0  }
0x9: {  	s8 =	sshll.u32 s1, $0x1;
	_ =	swait.ge [sflag:s6], $0x4F0  }
0xa: {  	s9 =	simm.s32 $0x2710;
	s8 =	sor.u32 s22, s8;
	[sflag:s6] =	ssyncset.done $0x0  }
0xb: {  	s10 =	smul.u32 $0x4E2, s8;
	s8 =	sadd.s32 $0x15400, s20;
	[sflag:s6] =	ssyncadd.s32 $0xFFFFFB10  }
0xc: {  	[tilespmem:s9], [sflag:$0x1] =	stream.linear.gather [hbm4b:s8+s3], $0x3E80, $0x38;
	[tilespmem:$0x8D10] =	vst v63  }
0xd: {  	_ =	swait.ge [sflag:s6], $0x3E80  }
0xe: {  	s10 =	sadd.s32 s10, s20;
	[sflag:s6] =	ssyncset.done $0x0  }
0xf: {  	s10 =	sadd.s32 $0xB600, s10;
	[sflag:s6] =	ssyncadd.s32 $0xFFFFC180  }
0x10: {  	[tilespmem:s3], [sflag:$0x1] =	stream.linear.gather [hbm4b:s10+s3], $0x2710, $0x38;
	[tilespmem:$0x8D10] =	vst v63  }
0x11: {  	_ =	swait.ge [sflag:s6], $0x2710  }
0x12: {  	[sflag:s6] =	ssyncset.done $0x0  }
0x13: {  	[sflag:s6] =	ssyncadd.s32 $0xFFFFD8F0  }
0x14: {  	s11 =	simm.s32 $0x3E8;
	[bflag:$0x0] =	sbarrier.arrive $0xFFFF  }
0x15: {  	[spmem:s2] =	stream.indirect.scatter.add.f32 [tilespmem:s9], [sflag:$0x1], $0x10, s3, s11, $0xb8;
	[tilespmem:$0x8D10] =	vst v63  }
0x16: {  	_ =	swait.ge [sflag:s6], $0x3E80  }
0x17: {  	[sflag:s6] =	ssyncset.done $0x0  }
0x18: {  	[sflag:s6] =	ssyncadd.s32 $0xFFFFC180  }
0x19: {  	[spmem:s2] =	stream.indirect.scatter.add.f32 [tilespmem:s9], [sflag:$0x1], $0x10, s11, s11, $0xb8;
	[tilespmem:$0x8D10] =	vst v63  }
0x1a: {  	_ =	swait.ge [sflag:s6], $0x3E80  }
0x1b: {  	[sflag:s6] =	ssyncset.done $0x0  }
0x1c: {  	s12 =	simm.s32 $0x7D0;
	[sflag:s6] =	ssyncadd.s32 $0xFFFFC180  }
0x1d: {  	[spmem:s2] =	stream.indirect.scatter.add.f32 [tilespmem:s9], [sflag:$0x1], $0x10, s12, s11, $0xb8;
	[tilespmem:$0x8D10] =	vst v63  }
0x1e: {  	_ =	swait.ge [sflag:s6], $0x3E80  }
0x1f: {  	[sflag:s6] =	ssyncset.done $0x0  }
0x20: {  	s13 =	simm.s32 $0xBB8;
	[sflag:s6] =	ssyncadd.s32 $0xFFFFC180  }
0x21: {  	[spmem:s2] =	stream.indirect.scatter.add.f32 [tilespmem:s9], [sflag:$0x1], $0x10, s13, s11, $0xb8;
	[tilespmem:$0x8D10] =	vst v63  }
0x22: {  	_ =	swait.ge [sflag:s6], $0x3E80  }
0x23: {  	[sflag:s6] =	ssyncset.done $0x0  }
0x24: {  	s14 =	simm.s32 $0xFA0;
	[sflag:s6] =	ssyncadd.s32 $0xFFFFC180  }
0x25: {  	[spmem:s2] =	stream.indirect.scatter.add.f32 [tilespmem:s9], [sflag:$0x1], $0x10, s14, s11, $0xb8;
	[tilespmem:$0x8D10] =	vst v63  }
0x26: {  	_ =	swait.ge [sflag:s6], $0x3E80  }
0x27: {  	[sflag:s6] =	ssyncset.done $0x0  }
0x28: {  	s15 =	simm.s32 $0x1388;
	[sflag:s6] =	ssyncadd.s32 $0xFFFFC180  }
0x29: {  	[spmem:s2] =	stream.indirect.scatter.add.f32 [tilespmem:s9], [sflag:$0x1], $0x10, s15, s11, $0xb8;
	[tilespmem:$0x8D10] =	vst v63  }
0x2a: {  	_ =	swait.ge [sflag:s6], $0x3E80  }
0x2b: {  	[sflag:s6] =	ssyncset.done $0x0  }
0x2c: {  	s16 =	simm.s32 $0x1770;
	[sflag:s6] =	ssyncadd.s32 $0xFFFFC180  }
0x2d: {  	[spmem:s2] =	stream.indirect.scatter.add.f32 [tilespmem:s9], [sflag:$0x1], $0x10, s16, s11, $0xb8;
	[tilespmem:$0x8D10] =	vst v63  }
0x2e: {  	_ =	swait.ge [sflag:s6], $0x3E80  }
0x2f: {  	[sflag:s6] =	ssyncset.done $0x0  }
0x30: {  	s17 =	simm.s32 $0x1B58;
	[sflag:s6] =	ssyncadd.s32 $0xFFFFC180  }
0x31: {  	[spmem:s2] =	stream.indirect.scatter.add.f32 [tilespmem:s9], [sflag:$0x1], $0x10, s17, s11, $0xb8;
	[tilespmem:$0x8D10] =	vst v63  }
0x32: {  	_ =	swait.ge [sflag:s6], $0x3E80  }
0x33: {  	[sflag:s6] =	ssyncset.done $0x0  }
0x34: {  	s18 =	simm.s32 $0x1F40;
	s23 =	smul.u32 $0x27800, s22;
	[sflag:s6] =	ssyncadd.s32 $0xFFFFC180  }
0x35: {  	[spmem:s2] =	stream.indirect.scatter.add.f32 [tilespmem:s9], [sflag:$0x1], $0x10, s18, s11, $0xb8;
	[tilespmem:$0x8D10] =	vst v63  }
0x36: {  	s19 =	simm.s32 $0x2328;
	s22 =	ssub.s32 $0x2, s22;
	_ =	swait.ge [sflag:s6], $0x3E80  }
0x37: {  	s30 =	sshrl.u32 s22, $0x1;
	s21 =	sadd.s32 s21, s23;
	[sflag:s6] =	ssyncset.done $0x0  }
0x38: {  	s31 =	ssub.s32 s22, s30;
	s21 =	sshrl.u32 s21, $0x3;
	[sflag:s6] =	ssyncadd.s32 $0xFFFFC180  }
0x39: {  	[spmem:s2] =	stream.indirect.scatter.add.f32 [tilespmem:s9], [sflag:$0x1], $0x10, s19, s11, $0xb8;
	[tilespmem:$0x8D10] =	vst v63  }
0x3a: {  	s20 =	sadd.s32 s21, s20;
	s21 =	smax.u32 s31, $0x1;
	_ =	swait.ge [sflag:s6], $0x3E80  }
0x3b: {  	p0 =	sne.s32 s21, $0x1;
	[sflag:s6] =	ssyncset.done $0x0  }
.Ltmp0:
0x3c: {  	[sflag:s6] =	ssyncadd.s32 $0xFFFFC180;
	(pc) =	sbr.rel @!p0 .LBB2_2-.Ltmp0, $4  }
0x3d: {  	s20 =	sadd.s32 $0x16200, s20;
	[bflag:$0x0] =	sbarrier.arrive $0xFFFF  }
0x3e: {  	[hbm:s20], [sflag:s5] =	dma.local [spmem:s7], $0x4F0  }
0x3f: {  	_ =	swait.ge [sflag:s6], $0x4F0  }
0x40: {  	s21 =	sadd.s32 $0xFFFFFFFF, s21;
	[sflag:s6] =	ssyncset.done $0x0  }
.LBB2_1:
0x41: {  	p0 =	sne.s32 s21, $0x1;
	s21 =	sadd.s32 $0xFFFFFFFF, s21;
	[sflag:s6] =	ssyncadd.s32 $0xFFFFFB10  }
0x42: {  	[spmem:s7], [sflag:s5] =	dma.local [hbm:s4], $0x4F0  }
0x43: {  	_ =	swait.ge [sflag:s6], $0x4F0  }
0x44: {  	[sflag:s6] =	ssyncset.done $0x0  }
0x45: {  	[sflag:s6] =	ssyncadd.s32 $0xFFFFFB10  }
0x46: {  	[tilespmem:s9], [sflag:$0x1] =	stream.linear.gather [hbm4b:s8+s3], $0x3E80, $0x38;
	[tilespmem:$0x8D10] =	vst v63  }
0x47: {  	_ =	swait.ge [sflag:s6], $0x3E80  }
0x48: {  	[sflag:s6] =	ssyncset.done $0x0  }
0x49: {  	[sflag:s6] =	ssyncadd.s32 $0xFFFFC180  }
0x4a: {  	[tilespmem:s3], [sflag:$0x1] =	stream.linear.gather [hbm4b:s10+s3], $0x2710, $0x38;
	[tilespmem:$0x8D10] =	vst v63  }
0x4b: {  	_ =	swait.ge [sflag:s6], $0x2710  }
0x4c: {  	[sflag:s6] =	ssyncset.done $0x0  }
0x4d: {  	[sflag:s6] =	ssyncadd.s32 $0xFFFFD8F0  }
0x4e: {  	[bflag:$0x0] =	sbarrier.arrive $0xFFFF  }
0x4f: {  	[spmem:s2] =	stream.indirect.scatter.add.f32 [tilespmem:s9], [sflag:$0x1], $0x10, s3, s11, $0xb8;
	[tilespmem:$0x8D10] =	vst v63  }
0x50: {  	_ =	swait.ge [sflag:s6], $0x3E80  }
0x51: {  	[sflag:s6] =	ssyncset.done $0x0  }
0x52: {  	[sflag:s6] =	ssyncadd.s32 $0xFFFFC180  }
0x53: {  	[spmem:s2] =	stream.indirect.scatter.add.f32 [tilespmem:s9], [sflag:$0x1], $0x10, s11, s11, $0xb8;
	[tilespmem:$0x8D10] =	vst v63  }
0x54: {  	_ =	swait.ge [sflag:s6], $0x3E80  }
0x55: {  	[sflag:s6] =	ssyncset.done $0x0  }
0x56: {  	[sflag:s6] =	ssyncadd.s32 $0xFFFFC180  }
0x57: {  	[spmem:s2] =	stream.indirect.scatter.add.f32 [tilespmem:s9], [sflag:$0x1], $0x10, s12, s11, $0xb8;
	[tilespmem:$0x8D10] =	vst v63  }
0x58: {  	_ =	swait.ge [sflag:s6], $0x3E80  }
0x59: {  	[sflag:s6] =	ssyncset.done $0x0  }
0x5a: {  	[sflag:s6] =	ssyncadd.s32 $0xFFFFC180  }
0x5b: {  	[spmem:s2] =	stream.indirect.scatter.add.f32 [tilespmem:s9], [sflag:$0x1], $0x10, s13, s11, $0xb8;
	[tilespmem:$0x8D10] =	vst v63  }
0x5c: {  	_ =	swait.ge [sflag:s6], $0x3E80  }
0x5d: {  	[sflag:s6] =	ssyncset.done $0x0  }
0x5e: {  	[sflag:s6] =	ssyncadd.s32 $0xFFFFC180  }
0x5f: {  	[spmem:s2] =	stream.indirect.scatter.add.f32 [tilespmem:s9], [sflag:$0x1], $0x10, s14, s11, $0xb8;
	[tilespmem:$0x8D10] =	vst v63  }
0x60: {  	_ =	swait.ge [sflag:s6], $0x3E80  }
0x61: {  	[sflag:s6] =	ssyncset.done $0x0  }
0x62: {  	[sflag:s6] =	ssyncadd.s32 $0xFFFFC180  }
0x63: {  	[spmem:s2] =	stream.indirect.scatter.add.f32 [tilespmem:s9], [sflag:$0x1], $0x10, s15, s11, $0xb8;
	[tilespmem:$0x8D10] =	vst v63  }
0x64: {  	_ =	swait.ge [sflag:s6], $0x3E80  }
0x65: {  	[sflag:s6] =	ssyncset.done $0x0  }
0x66: {  	[sflag:s6] =	ssyncadd.s32 $0xFFFFC180  }
0x67: {  	[spmem:s2] =	stream.indirect.scatter.add.f32 [tilespmem:s9], [sflag:$0x1], $0x10, s16, s11, $0xb8;
	[tilespmem:$0x8D10] =	vst v63  }
0x68: {  	_ =	swait.ge [sflag:s6], $0x3E80  }
0x69: {  	[sflag:s6] =	ssyncset.done $0x0  }
0x6a: {  	[sflag:s6] =	ssyncadd.s32 $0xFFFFC180  }
0x6b: {  	[spmem:s2] =	stream.indirect.scatter.add.f32 [tilespmem:s9], [sflag:$0x1], $0x10, s17, s11, $0xb8;
	[tilespmem:$0x8D10] =	vst v63  }
0x6c: {  	_ =	swait.ge [sflag:s6], $0x3E80  }
0x6d: {  	[sflag:s6] =	ssyncset.done $0x0  }
0x6e: {  	[sflag:s6] =	ssyncadd.s32 $0xFFFFC180  }
0x6f: {  	[spmem:s2] =	stream.indirect.scatter.add.f32 [tilespmem:s9], [sflag:$0x1], $0x10, s18, s11, $0xb8;
	[tilespmem:$0x8D10] =	vst v63  }
0x70: {  	_ =	swait.ge [sflag:s6], $0x3E80  }
0x71: {  	[sflag:s6] =	ssyncset.done $0x0  }
0x72: {  	[sflag:s6] =	ssyncadd.s32 $0xFFFFC180  }
0x73: {  	[spmem:s2] =	stream.indirect.scatter.add.f32 [tilespmem:s9], [sflag:$0x1], $0x10, s19, s11, $0xb8;
	[tilespmem:$0x8D10] =	vst v63  }
0x74: {  	_ =	swait.ge [sflag:s6], $0x3E80  }
0x75: {  	[sflag:s6] =	ssyncset.done $0x0  }
.Ltmp1:
0x76: {  	[sflag:s6] =	ssyncadd.s32 $0xFFFFC180;
	(pc) =	sbr.rel @p0 .LBB2_1-.Ltmp1, $4  }
0x77: {  	[bflag:$0x0] =	sbarrier.arrive $0xFFFF  }
0x78: {  	[hbm:s20], [sflag:s5] =	dma.local [spmem:s7], $0x4F0  }
0x79: {  	_ =	swait.ge [sflag:s6], $0x4F0  }
0x7a: {  	[sflag:s6] =	ssyncset.done $0x0  }
.LBB2_2:
0x7b: {  	[sflag:s6] =	ssyncadd.s32 $0xFFFFFB10  }
0x7c: {  	_ =	sfence.sel $0x180000  }
0x7d: {  	[bflag:$0x0] =	sbarrier.arrive $0xFFFF  }
0x7e: {  	p0 =	sne.s32 s1, $0x0;
	_ =	strace $0x90000047  }
0x7f: {  	s0 =	sadd.s32 @!p0 $0x100000, s0;
	[bflag:$0x2] =	sbarrier.arrive $0xFFFF  }
0x80: {  	[sflag:s0] =	ssyncadd.tile.s32 @!p0 $0x1;
	_ =	shalt  }
.Lfunc_end2:
_tile_overlayer_lowered:
.L_overlay_start_2:
0x81: {  	(tag) =	ssettag $0x2  }
0x82: {  	s0 =	rddreg [dreg:$0x0];
	s2 =	stileid.u32  }
0x83: {  	s1 =	rddreg [dreg:$0x1];
	p0 =	sne.s32 s2, $0x0  }
0x84: {  	s3 =	rddreg [dreg:$0x2];
	[bflag:$0x3] =	sbarrier.arrive $0xFFFF;
	s2 =	simm.s32 @!p0 $0x1C01  }
0x85: {  	[timem:s3], [sflag:s2] =	dma.local @!p0 [hbm:s0], s1  }
0x86: {  	s0 =	simm.s32 @!p0 $0x1  }
0x87: {  	_ =	swait.ge @!p0 [sflag:s0], s1  }
0x88: {  	s1 =	ssub.s32 @!p0 $0x0, s1;
	[sflag:s0] =	ssyncset.done @!p0 $0x0  }
0x89: {  	[sflag:s0] =	ssyncadd.s32 @!p0 s1  }
0x8a: {  	[bflag:$0x3] =	sbarrier.arrive $0xFFFF  }
0x8b: {  	_ =	shalt  }

</sc_bundles>
